<compile_context>
chip_gen: v7x
topology: tpu7x:2x2x1
jax: 0.10.2.dev20260603
libtpu: 0.0.44.dev20260713+nightly
codegen_flags: <defaults>
</compile_context>

<pallas_src>
import functools

import jax
import jax.numpy as jnp
from jax import lax
from jax.experimental import pallas as pl
from jax.experimental.pallas import tpu as pltpu
from jax.experimental.pallas import tpu_sc as plsc

_D = 28
_DP = 32
_TOTAL = 4096 * 200
_NW = 32
_PER_W = _TOTAL // _NW
_CHUNK = 128
_NCHUNK = _PER_W // _CHUNK
_NBUF = 4
_LEAD = 2


def _sc_gather(table_pad, idx2d):
    mesh = plsc.VectorSubcoreMesh(core_axis_name="c", subcore_axis_name="s")

    @functools.partial(
        pl.kernel,
        mesh=mesh,
        out_type=jax.ShapeDtypeStruct((_TOTAL, _DP), jnp.float32),
        scratch_types=[
            pltpu.VMEM((_NCHUNK, _CHUNK), jnp.int32),
            pltpu.VMEM((_NBUF, _CHUNK, _DP), jnp.float32),
            pltpu.SemaphoreType.DMA,
            pltpu.SemaphoreType.DMA,
            pltpu.SemaphoreType.DMA,
            pltpu.SemaphoreType.DMA,
            pltpu.SemaphoreType.DMA,
            pltpu.SemaphoreType.DMA,
            pltpu.SemaphoreType.DMA,
            pltpu.SemaphoreType.DMA,
        ],
        compiler_params=pltpu.CompilerParams(use_tc_tiling_on_sc=False),
    )
    def k(tbl_hbm, idx_hbm, out_hbm, idx_v, land_v, g0, g1, g2, g3,
          w0, w1, w2, w3):
        gsem = (g0, g1, g2, g3)
        wsem = (w0, w1, w2, w3)
        wid = lax.axis_index("s") * 2 + lax.axis_index("c")
        base = wid * _PER_W
        pltpu.sync_copy(idx_hbm.at[pl.ds(wid * _NCHUNK, _NCHUNK)], idx_v)

        def fire_gather(b, c):
            pltpu.async_copy(tbl_hbm.at[idx_v.at[c]], land_v.at[b], gsem[b])

        def fire_write(b, c):
            pltpu.async_copy(
                land_v.at[b],
                out_hbm.at[pl.ds(base + c * _CHUNK, _CHUNK)],
                wsem[b],
            )

        def wait_gather(b):
            pltpu.make_async_copy(
                out_hbm.at[pl.ds(0, _CHUNK)], land_v.at[b], gsem[b]
            ).wait()

        def wait_write(b):
            pltpu.make_async_copy(
                land_v.at[b], out_hbm.at[pl.ds(0, _CHUNK)], wsem[b]
            ).wait()

        for c0 in range(_LEAD):
            fire_gather(c0 % _NBUF, c0)

        def body(c4, carry):
            for boff in range(_NBUF):
                g = c4 * _NBUF + boff
                blead = (boff + _LEAD) % _NBUF

                @pl.when(g + _LEAD < _NCHUNK)
                def _():
                    @pl.when(g + _LEAD >= _NBUF)
                    def _():
                        wait_write(blead)
                    fire_gather(blead, g + _LEAD)

                wait_gather(boff)
                fire_write(boff, g)
            return carry

        lax.fori_loop(0, _NCHUNK // _NBUF, body, 0)
        for b in range(_NBUF):
            wait_write(b)

    return k(table_pad, idx2d)


def kernel(table, indices):
    idx = indices.astype(jnp.int32).reshape(_TOTAL // _CHUNK, _CHUNK)
    table_pad = (
        jnp.pad(table.reshape(-1, 4, _D), ((0, 0), (0, 0), (0, _DP - _D)))
        .reshape(-1, 4 * _DP)
        .reshape(-1, _DP)
    )
    land = _sc_gather(table_pad, idx)
    return land[:, :_D].reshape(indices.shape[0], indices.shape[1], _D)

# --- scband reference (transcript-rebuilt; emitter-appended) ---
"""Pipeline reference for scband-plenoxel-model-3985729650737 (READ-ONLY COPY).

The authoritative reference and input builder live on the scoring server;
editing this copy changes nothing except your own understanding.
"""

import jax, jax.numpy as jnp
import numpy as np

GRID_X, GRID_Y, GRID_Z = 128, 128, 128
VOXEL_DIMENSION = 28
NUM_VOXELS = GRID_X * GRID_Y * GRID_Z
B, S = 4096, 200

def setup_inputs(seed: int = 0) -> dict:
    key = jax.random.key(seed)
    k1, k2 = jax.random.split(key)
    # Plenoxel voxel grid flattened: each voxel is a 28-dim parameter vector
    # (1 opacity/density + 3 color channels * 9 spherical-harmonic coefficients).
    table = jax.random.normal(k1, (NUM_VOXELS, VOXEL_DIMENSION), dtype=jnp.float32)
    # Ray-sample voxel indices: 4096 rays, 200 samples each, each hitting one voxel.
    indices = jax.random.randint(k2, (B, S), 0, NUM_VOXELS, dtype=jnp.int64)
    return {"table": table, "indices": indices}

def reference(table, indices):
    # Faithful core of PlenoxelModel's voxel access: for every ray sample position,
    # fetch the 28-dim voxel parameter vector from the flattened voxel grid
    # (equivalent to VoxelGrid.at / voxel_by_position gathers in the torch code).
    out = jnp.take(table, indices, axis=0)  # [B, S, VOXEL_DIMENSION]
    return out

if __name__ == "__main__":
    import jax
    _d = setup_inputs()
    print(jax.jit(kernel)(*tuple(_d.values())))

</pallas_src>

<mosaic_0001>
#map = affine_map<(d0, d1) -> (0, 0)>
module attributes {stable_mosaic.version = 14 : i64} {
  func.func @k(%arg0: i32, %arg1: i32, %arg2: memref<2097152x32xf32, #tpu.memory_space<hbm>>, %arg3: memref<6400x128xi32, #tpu.memory_space<hbm>>, %arg4: memref<819200x32xf32, #tpu.memory_space<hbm>>, %arg5: memref<200x128xi32, #tpu.memory_space<vmem>>, %arg6: memref<4x128x32xf32, #tpu.memory_space<vmem>>, %arg7: memref<!tpu.dma_semaphore, #tpu.memory_space<semaphore_mem>>, %arg8: memref<!tpu.dma_semaphore, #tpu.memory_space<semaphore_mem>>, %arg9: memref<!tpu.dma_semaphore, #tpu.memory_space<semaphore_mem>>, %arg10: memref<!tpu.dma_semaphore, #tpu.memory_space<semaphore_mem>>, %arg11: memref<!tpu.dma_semaphore, #tpu.memory_space<semaphore_mem>>, %arg12: memref<!tpu.dma_semaphore, #tpu.memory_space<semaphore_mem>>, %arg13: memref<!tpu.dma_semaphore, #tpu.memory_space<semaphore_mem>>, %arg14: memref<!tpu.dma_semaphore, #tpu.memory_space<semaphore_mem>>) attributes {dimension_semantics = [#tpu.dimension_semantics<core_parallel>, #tpu.dimension_semantics<subcore_parallel>], iteration_bounds = array<i64: 2, 16>, scalar_prefetch = 0 : i64, scratch_operands = 10 : i64, tpu.core_type = #tpu.core_type<sc_vector_subcore>, window_params = [{transform_indices = #map}, {transform_indices = #map}, {transform_indices = #map}]} {
    %mul3A = arith.constant 2 : i32
    %mul3A_0 = arith.muli %arg1, %mul3A : i32
    %add3A = arith.addi %mul3A_0, %arg0 : i32
    %mul3A_1 = arith.constant 25600 : i32
    %mul3A_2 = arith.muli %add3A, %mul3A_1 : i32
    %mul3A_3 = arith.constant 200 : i32
    %mul3A_4 = arith.muli %add3A, %mul3A_3 : i32
    "tpu.region"() ({
      %run_scoped3A = tpu.sem_alloc : memref<!tpu.dma_semaphore, #tpu.memory_space<semaphore_mem>>
      %dma_start3A_92 = arith.constant 0 : i32
      %dma_start3A_93 = tpu.memref_slice %arg3[%mul3A_4, %dma_start3A_92] : memref<6400x128xi32, #tpu.memory_space<hbm>> -> memref<200x128xi32, #tpu.memory_space<hbm>>
      %dma_start3A_94 = arith.constant 0 : i32
      %dma_start3A_95 = tpu.memref_slice %arg3[%mul3A_4, %dma_start3A_94] : memref<6400x128xi32, #tpu.memory_space<hbm>> -> memref<200x128xi32, #tpu.memory_space<hbm>>
      tpu.enqueue_dma source(%dma_start3A_95 : memref<200x128xi32, #tpu.memory_space<hbm>>) target(%arg5 : memref<200x128xi32, #tpu.memory_space<vmem>>) target_semaphore(%run_scoped3A : memref<!tpu.dma_semaphore, #tpu.memory_space<semaphore_mem>>)
      %dma_wait3A_96 = arith.constant 0 : i32
      %dma_wait3A_97 = tpu.memref_slice %arg3[%mul3A_4, %dma_wait3A_96] : memref<6400x128xi32, #tpu.memory_space<hbm>> -> memref<200x128xi32, #tpu.memory_space<hbm>>
      %dma_wait3A_98 = arith.constant 0 : i32
      %dma_wait3A_99 = tpu.memref_slice %arg3[%mul3A_4, %dma_wait3A_98] : memref<6400x128xi32, #tpu.memory_space<hbm>> -> memref<200x128xi32, #tpu.memory_space<hbm>>
      tpu.wait_dma2 semaphore(%run_scoped3A : memref<!tpu.dma_semaphore, #tpu.memory_space<semaphore_mem>>) src(%dma_wait3A_99 : memref<200x128xi32, #tpu.memory_space<hbm>>) dst(%arg5 : memref<200x128xi32, #tpu.memory_space<vmem>>)
      tpu.yield
    }) : () -> ()
    %dma_start3A = arith.constant 0 : i32
    %dma_start3A_5 = arith.constant 0 : i32
    %dma_start3A_6 = arith.constant 0 : i32
    %dma_start3A_7 = arith.constant 0 : i32
    %dma_start3A_8 = tpu.memref_slice %arg6[%dma_start3A_5, %dma_start3A_6, %dma_start3A_7] : memref<4x128x32xf32, #tpu.memory_space<vmem>> -> memref<1x128x32xf32, #tpu.memory_space<vmem>>
    %dma_start3A_9 = tpu.memref_squeeze %dma_start3A_8 : memref<1x128x32xf32, #tpu.memory_space<vmem>> -> memref<128x32xf32, #tpu.memory_space<vmem>>
    %dma_start3A_10 = arith.constant 0 : i32
    %dma_start3A_11 = tpu.memref_slice %arg5[%dma_start3A, %dma_start3A_10] : memref<200x128xi32, #tpu.memory_space<vmem>> -> memref<1x128xi32, #tpu.memory_space<vmem>>
    %dma_start3A_12 = tpu.memref_squeeze %dma_start3A_11 : memref<1x128xi32, #tpu.memory_space<vmem>> -> memref<128xi32, #tpu.memory_space<vmem>>
    %dma_start3A_13 = arith.constant 0 : i32
    %dma_start3A_14 = arith.constant 0 : i32
    %dma_start3A_15 = tpu.memref_slice %arg2[%dma_start3A_13, %dma_start3A_14] : memref<2097152x32xf32, #tpu.memory_space<hbm>> -> memref<2097152x32xf32, #tpu.memory_space<hbm>>
    tpu.enqueue_indirect_dma source(%dma_start3A_15 : memref<2097152x32xf32, #tpu.memory_space<hbm>>) target(%dma_start3A_9 : memref<128x32xf32, #tpu.memory_space<vmem>>) offsets(%dma_start3A_12 : memref<128xi32, #tpu.memory_space<vmem>>) semaphore(%arg7 : memref<!tpu.dma_semaphore, #tpu.memory_space<semaphore_mem>>)
    %dma_start3A_16 = arith.constant 1 : i32
    %dma_start3A_17 = arith.constant 1 : i32
    %dma_start3A_18 = arith.constant 0 : i32
    %dma_start3A_19 = arith.constant 0 : i32
    %dma_start3A_20 = tpu.memref_slice %arg6[%dma_start3A_17, %dma_start3A_18, %dma_start3A_19] : memref<4x128x32xf32, #tpu.memory_space<vmem>> -> memref<1x128x32xf32, #tpu.memory_space<vmem>>
    %dma_start3A_21 = tpu.memref_squeeze %dma_start3A_20 : memref<1x128x32xf32, #tpu.memory_space<vmem>> -> memref<128x32xf32, #tpu.memory_space<vmem>>
    %dma_start3A_22 = arith.constant 0 : i32
    %dma_start3A_23 = tpu.memref_slice %arg5[%dma_start3A_16, %dma_start3A_22] : memref<200x128xi32, #tpu.memory_space<vmem>> -> memref<1x128xi32, #tpu.memory_space<vmem>>
    %dma_start3A_24 = tpu.memref_squeeze %dma_start3A_23 : memref<1x128xi32, #tpu.memory_space<vmem>> -> memref<128xi32, #tpu.memory_space<vmem>>
    %dma_start3A_25 = arith.constant 0 : i32
    %dma_start3A_26 = arith.constant 0 : i32
    %dma_start3A_27 = tpu.memref_slice %arg2[%dma_start3A_25, %dma_start3A_26] : memref<2097152x32xf32, #tpu.memory_space<hbm>> -> memref<2097152x32xf32, #tpu.memory_space<hbm>>
    tpu.enqueue_indirect_dma source(%dma_start3A_27 : memref<2097152x32xf32, #tpu.memory_space<hbm>>) target(%dma_start3A_21 : memref<128x32xf32, #tpu.memory_space<vmem>>) offsets(%dma_start3A_24 : memref<128xi32, #tpu.memory_space<vmem>>) semaphore(%arg8 : memref<!tpu.dma_semaphore, #tpu.memory_space<semaphore_mem>>)
    %scan3A = arith.constant 0 : i32
    %scan3A_28 = arith.constant 0 : i32
    %scan3A_29 = arith.constant 50 : i32
    %scan3A_30 = arith.addi %scan3A_28, %scan3A_29 : i32
    %scan3A_31 = arith.constant 1 : i32
    scf.for %scan3A_92 = %scan3A_28 to %scan3A_30 step %scan3A_31  : i32 {
      %mul3A_93 = arith.constant 4 : i32
      %mul3A_94 = arith.muli %scan3A_92, %mul3A_93 : i32
      %add3A_95 = arith.constant 0 : i32
      %add3A_96 = arith.addi %mul3A_94, %add3A_95 : i32
      %add3A_97 = arith.constant 2 : i32
      %add3A_98 = arith.addi %add3A_96, %add3A_97 : i32
      %lt3A = arith.constant 200 : i32
      %lt3A_99 = arith.cmpi slt, %add3A_98, %lt3A : i32
      %convert_element_type3A = arith.extui %lt3A_99 : i1 to i32
      %cond3A = arith.constant 0 : i32
      %cond3A_100 = arith.cmpi ne, %convert_element_type3A, %cond3A : i32
      scf.if %cond3A_100 {
        %add3A_258 = arith.constant 2 : i32
        %add3A_259 = arith.addi %add3A_96, %add3A_258 : i32
        %ge3A = arith.constant 4 : i32
        %ge3A_260 = arith.cmpi sge, %add3A_259, %ge3A : i32
        %convert_element_type3A_261 = arith.extui %ge3A_260 : i1 to i32
        %cond3A_262 = arith.constant 0 : i32
        %cond3A_263 = arith.cmpi ne, %convert_element_type3A_261, %cond3A_262 : i32
        scf.if %cond3A_263 {
          %dma_wait3A_277 = arith.constant 2 : i32
          %dma_wait3A_278 = arith.constant 0 : i32
          %dma_wait3A_279 = arith.constant 0 : i32
          %dma_wait3A_280 = tpu.memref_slice %arg6[%dma_wait3A_277, %dma_wait3A_278, %dma_wait3A_279] : memref<4x128x32xf32, #tpu.memory_space<vmem>> -> memref<1x128x32xf32, #tpu.memory_space<vmem>>
          %dma_wait3A_281 = tpu.memref_squeeze %dma_wait3A_280 : memref<1x128x32xf32, #tpu.memory_space<vmem>> -> memref<128x32xf32, #tpu.memory_space<vmem>>
          %dma_wait3A_282 = arith.constant 0 : i32
          %dma_wait3A_283 = arith.constant 0 : i32
          %dma_wait3A_284 = tpu.memref_slice %arg4[%dma_wait3A_282, %dma_wait3A_283] : memref<819200x32xf32, #tpu.memory_space<hbm>> -> memref<128x32xf32, #tpu.memory_space<hbm>>
          %dma_wait3A_285 = arith.constant 0 : i32
          %dma_wait3A_286 = arith.constant 0 : i32
          %dma_wait3A_287 = tpu.memref_slice %arg4[%dma_wait3A_285, %dma_wait3A_286] : memref<819200x32xf32, #tpu.memory_space<hbm>> -> memref<128x32xf32, #tpu.memory_space<hbm>>
          %dma_wait3A_288 = arith.constant 0 : i32
          %dma_wait3A_289 = arith.constant 0 : i32
          %dma_wait3A_290 = tpu.memref_slice %arg6[%dma_wait3A_277, %dma_wait3A_288, %dma_wait3A_289] : memref<4x128x32xf32, #tpu.memory_space<vmem>> -> memref<1x128x32xf32, #tpu.memory_space<vmem>>
          %dma_wait3A_291 = tpu.memref_squeeze %dma_wait3A_290 : memref<1x128x32xf32, #tpu.memory_space<vmem>> -> memref<128x32xf32, #tpu.memory_space<vmem>>
          tpu.wait_dma2 semaphore(%arg13 : memref<!tpu.dma_semaphore, #tpu.memory_space<semaphore_mem>>) src(%dma_wait3A_291 : memref<128x32xf32, #tpu.memory_space<vmem>>) dst(%dma_wait3A_287 : memref<128x32xf32, #tpu.memory_space<hbm>>)
        } else {
        }
        %add3A_264 = arith.constant 2 : i32
        %add3A_265 = arith.addi %add3A_96, %add3A_264 : i32
        %dma_start3A_266 = arith.constant 2 : i32
        %dma_start3A_267 = arith.constant 0 : i32
        %dma_start3A_268 = arith.constant 0 : i32
        %dma_start3A_269 = tpu.memref_slice %arg6[%dma_start3A_266, %dma_start3A_267, %dma_start3A_268] : memref<4x128x32xf32, #tpu.memory_space<vmem>> -> memref<1x128x32xf32, #tpu.memory_space<vmem>>
        %dma_start3A_270 = tpu.memref_squeeze %dma_start3A_269 : memref<1x128x32xf32, #tpu.memory_space<vmem>> -> memref<128x32xf32, #tpu.memory_space<vmem>>
        %dma_start3A_271 = arith.constant 0 : i32
        %dma_start3A_272 = tpu.memref_slice %arg5[%add3A_265, %dma_start3A_271] : memref<200x128xi32, #tpu.memory_space<vmem>> -> memref<1x128xi32, #tpu.memory_space<vmem>>
        %dma_start3A_273 = tpu.memref_squeeze %dma_start3A_272 : memref<1x128xi32, #tpu.memory_space<vmem>> -> memref<128xi32, #tpu.memory_space<vmem>>
        %dma_start3A_274 = arith.constant 0 : i32
        %dma_start3A_275 = arith.constant 0 : i32
        %dma_start3A_276 = tpu.memref_slice %arg2[%dma_start3A_274, %dma_start3A_275] : memref<2097152x32xf32, #tpu.memory_space<hbm>> -> memref<2097152x32xf32, #tpu.memory_space<hbm>>
        tpu.enqueue_indirect_dma source(%dma_start3A_276 : memref<2097152x32xf32, #tpu.memory_space<hbm>>) target(%dma_start3A_270 : memref<128x32xf32, #tpu.memory_space<vmem>>) offsets(%dma_start3A_273 : memref<128xi32, #tpu.memory_space<vmem>>) semaphore(%arg9 : memref<!tpu.dma_semaphore, #tpu.memory_space<semaphore_mem>>)
      } else {
      }
      %dma_wait3A_101 = arith.constant 0 : i32
      %dma_wait3A_102 = arith.constant 0 : i32
      %dma_wait3A_103 = arith.constant 0 : i32
      %dma_wait3A_104 = tpu.memref_slice %arg6[%dma_wait3A_101, %dma_wait3A_102, %dma_wait3A_103] : memref<4x128x32xf32, #tpu.memory_space<vmem>> -> memref<1x128x32xf32, #tpu.memory_space<vmem>>
      %dma_wait3A_105 = tpu.memref_squeeze %dma_wait3A_104 : memref<1x128x32xf32, #tpu.memory_space<vmem>> -> memref<128x32xf32, #tpu.memory_space<vmem>>
      %dma_wait3A_106 = arith.constant 0 : i32
      %dma_wait3A_107 = arith.constant 0 : i32
      %dma_wait3A_108 = tpu.memref_slice %arg4[%dma_wait3A_106, %dma_wait3A_107] : memref<819200x32xf32, #tpu.memory_space<hbm>> -> memref<128x32xf32, #tpu.memory_space<hbm>>
      %dma_wait3A_109 = arith.constant 0 : i32
      %dma_wait3A_110 = arith.constant 0 : i32
      %dma_wait3A_111 = tpu.memref_slice %arg6[%dma_wait3A_101, %dma_wait3A_109, %dma_wait3A_110] : memref<4x128x32xf32, #tpu.memory_space<vmem>> -> memref<1x128x32xf32, #tpu.memory_space<vmem>>
      %dma_wait3A_112 = tpu.memref_squeeze %dma_wait3A_111 : memref<1x128x32xf32, #tpu.memory_space<vmem>> -> memref<128x32xf32, #tpu.memory_space<vmem>>
      %dma_wait3A_113 = arith.constant 0 : i32
      %dma_wait3A_114 = arith.constant 0 : i32
      %dma_wait3A_115 = tpu.memref_slice %arg4[%dma_wait3A_113, %dma_wait3A_114] : memref<819200x32xf32, #tpu.memory_space<hbm>> -> memref<128x32xf32, #tpu.memory_space<hbm>>
      tpu.wait_dma2 semaphore(%arg7 : memref<!tpu.dma_semaphore, #tpu.memory_space<semaphore_mem>>) src(%dma_wait3A_115 : memref<128x32xf32, #tpu.memory_space<hbm>>) dst(%dma_wait3A_112 : memref<128x32xf32, #tpu.memory_space<vmem>>)
      %mul3A_116 = arith.constant 128 : i32
      %mul3A_117 = arith.muli %add3A_96, %mul3A_116 : i32
      %add3A_118 = arith.addi %mul3A_2, %mul3A_117 : i32
      %dma_start3A_119 = arith.constant 0 : i32
      %dma_start3A_120 = arith.constant 0 : i32
      %dma_start3A_121 = arith.constant 0 : i32
      %dma_start3A_122 = tpu.memref_slice %arg6[%dma_start3A_119, %dma_start3A_120, %dma_start3A_121] : memref<4x128x32xf32, #tpu.memory_space<vmem>> -> memref<1x128x32xf32, #tpu.memory_space<vmem>>
      %dma_start3A_123 = tpu.memref_squeeze %dma_start3A_122 : memref<1x128x32xf32, #tpu.memory_space<vmem>> -> memref<128x32xf32, #tpu.memory_space<vmem>>
      %dma_start3A_124 = arith.constant 0 : i32
      %dma_start3A_125 = tpu.memref_slice %arg4[%add3A_118, %dma_start3A_124] : memref<819200x32xf32, #tpu.memory_space<hbm>> -> memref<128x32xf32, #tpu.memory_space<hbm>>
      %dma_start3A_126 = arith.constant 0 : i32
      %dma_start3A_127 = tpu.memref_slice %arg4[%add3A_118, %dma_start3A_126] : memref<819200x32xf32, #tpu.memory_space<hbm>> -> memref<128x32xf32, #tpu.memory_space<hbm>>
      %dma_start3A_128 = arith.constant 0 : i32
      %dma_start3A_129 = arith.constant 0 : i32
      %dma_start3A_130 = tpu.memref_slice %arg6[%dma_start3A_119, %dma_start3A_128, %dma_start3A_129] : memref<4x128x32xf32, #tpu.memory_space<vmem>> -> memref<1x128x32xf32, #tpu.memory_space<vmem>>
      %dma_start3A_131 = tpu.memref_squeeze %dma_start3A_130 : memref<1x128x32xf32, #tpu.memory_space<vmem>> -> memref<128x32xf32, #tpu.memory_space<vmem>>
      tpu.enqueue_dma source(%dma_start3A_131 : memref<128x32xf32, #tpu.memory_space<vmem>>) target(%dma_start3A_127 : memref<128x32xf32, #tpu.memory_space<hbm>>) target_semaphore(%arg11 : memref<!tpu.dma_semaphore, #tpu.memory_space<semaphore_mem>>)
      %mul3A_132 = arith.constant 4 : i32
      %mul3A_133 = arith.muli %scan3A_92, %mul3A_132 : i32
      %add3A_134 = arith.constant 1 : i32
      %add3A_135 = arith.addi %mul3A_133, %add3A_134 : i32
      %add3A_136 = arith.constant 2 : i32
      %add3A_137 = arith.addi %add3A_135, %add3A_136 : i32
      %lt3A_138 = arith.constant 200 : i32
      %lt3A_139 = arith.cmpi slt, %add3A_137, %lt3A_138 : i32
      %convert_element_type3A_140 = arith.extui %lt3A_139 : i1 to i32
      %cond3A_141 = arith.constant 0 : i32
      %cond3A_142 = arith.cmpi ne, %convert_element_type3A_140, %cond3A_141 : i32
      scf.if %cond3A_142 {
        %add3A_258 = arith.constant 2 : i32
        %add3A_259 = arith.addi %add3A_135, %add3A_258 : i32
        %ge3A = arith.constant 4 : i32
        %ge3A_260 = arith.cmpi sge, %add3A_259, %ge3A : i32
        %convert_element_type3A_261 = arith.extui %ge3A_260 : i1 to i32
        %cond3A_262 = arith.constant 0 : i32
        %cond3A_263 = arith.cmpi ne, %convert_element_type3A_261, %cond3A_262 : i32
        scf.if %cond3A_263 {
          %dma_wait3A_277 = arith.constant 3 : i32
          %dma_wait3A_278 = arith.constant 0 : i32
          %dma_wait3A_279 = arith.constant 0 : i32
          %dma_wait3A_280 = tpu.memref_slice %arg6[%dma_wait3A_277, %dma_wait3A_278, %dma_wait3A_279] : memref<4x128x32xf32, #tpu.memory_space<vmem>> -> memref<1x128x32xf32, #tpu.memory_space<vmem>>
          %dma_wait3A_281 = tpu.memref_squeeze %dma_wait3A_280 : memref<1x128x32xf32, #tpu.memory_space<vmem>> -> memref<128x32xf32, #tpu.memory_space<vmem>>
          %dma_wait3A_282 = arith.constant 0 : i32
          %dma_wait3A_283 = arith.constant 0 : i32
          %dma_wait3A_284 = tpu.memref_slice %arg4[%dma_wait3A_282, %dma_wait3A_283] : memref<819200x32xf32, #tpu.memory_space<hbm>> -> memref<128x32xf32, #tpu.memory_space<hbm>>
          %dma_wait3A_285 = arith.constant 0 : i32
          %dma_wait3A_286 = arith.constant 0 : i32
          %dma_wait3A_287 = tpu.memref_slice %arg4[%dma_wait3A_285, %dma_wait3A_286] : memref<819200x32xf32, #tpu.memory_space<hbm>> -> memref<128x32xf32, #tpu.memory_space<hbm>>
          %dma_wait3A_288 = arith.constant 0 : i32
          %dma_wait3A_289 = arith.constant 0 : i32
          %dma_wait3A_290 = tpu.memref_slice %arg6[%dma_wait3A_277, %dma_wait3A_288, %dma_wait3A_289] : memref<4x128x32xf32, #tpu.memory_space<vmem>> -> memref<1x128x32xf32, #tpu.memory_space<vmem>>
          %dma_wait3A_291 = tpu.memref_squeeze %dma_wait3A_290 : memref<1x128x32xf32, #tpu.memory_space<vmem>> -> memref<128x32xf32, #tpu.memory_space<vmem>>
          tpu.wait_dma2 semaphore(%arg14 : memref<!tpu.dma_semaphore, #tpu.memory_space<semaphore_mem>>) src(%dma_wait3A_291 : memref<128x32xf32, #tpu.memory_space<vmem>>) dst(%dma_wait3A_287 : memref<128x32xf32, #tpu.memory_space<hbm>>)
        } else {
        }
        %add3A_264 = arith.constant 2 : i32
        %add3A_265 = arith.addi %add3A_135, %add3A_264 : i32
        %dma_start3A_266 = arith.constant 3 : i32
        %dma_start3A_267 = arith.constant 0 : i32
        %dma_start3A_268 = arith.constant 0 : i32
        %dma_start3A_269 = tpu.memref_slice %arg6[%dma_start3A_266, %dma_start3A_267, %dma_start3A_268] : memref<4x128x32xf32, #tpu.memory_space<vmem>> -> memref<1x128x32xf32, #tpu.memory_space<vmem>>
        %dma_start3A_270 = tpu.memref_squeeze %dma_start3A_269 : memref<1x128x32xf32, #tpu.memory_space<vmem>> -> memref<128x32xf32, #tpu.memory_space<vmem>>
        %dma_start3A_271 = arith.constant 0 : i32
        %dma_start3A_272 = tpu.memref_slice %arg5[%add3A_265, %dma_start3A_271] : memref<200x128xi32, #tpu.memory_space<vmem>> -> memref<1x128xi32, #tpu.memory_space<vmem>>
        %dma_start3A_273 = tpu.memref_squeeze %dma_start3A_272 : memref<1x128xi32, #tpu.memory_space<vmem>> -> memref<128xi32, #tpu.memory_space<vmem>>
        %dma_start3A_274 = arith.constant 0 : i32
        %dma_start3A_275 = arith.constant 0 : i32
        %dma_start3A_276 = tpu.memref_slice %arg2[%dma_start3A_274, %dma_start3A_275] : memref<2097152x32xf32, #tpu.memory_space<hbm>> -> memref<2097152x32xf32, #tpu.memory_space<hbm>>
        tpu.enqueue_indirect_dma source(%dma_start3A_276 : memref<2097152x32xf32, #tpu.memory_space<hbm>>) target(%dma_start3A_270 : memref<128x32xf32, #tpu.memory_space<vmem>>) offsets(%dma_start3A_273 : memref<128xi32, #tpu.memory_space<vmem>>) semaphore(%arg10 : memref<!tpu.dma_semaphore, #tpu.memory_space<semaphore_mem>>)
      } else {
      }
      %dma_wait3A_143 = arith.constant 1 : i32
      %dma_wait3A_144 = arith.constant 0 : i32
      %dma_wait3A_145 = arith.constant 0 : i32
      %dma_wait3A_146 = tpu.memref_slice %arg6[%dma_wait3A_143, %dma_wait3A_144, %dma_wait3A_145] : memref<4x128x32xf32, #tpu.memory_space<vmem>> -> memref<1x128x32xf32, #tpu.memory_space<vmem>>
      %dma_wait3A_147 = tpu.memref_squeeze %dma_wait3A_146 : memref<1x128x32xf32, #tpu.memory_space<vmem>> -> memref<128x32xf32, #tpu.memory_space<vmem>>
      %dma_wait3A_148 = arith.constant 0 : i32
      %dma_wait3A_149 = arith.constant 0 : i32
      %dma_wait3A_150 = tpu.memref_slice %arg4[%dma_wait3A_148, %dma_wait3A_149] : memref<819200x32xf32, #tpu.memory_space<hbm>> -> memref<128x32xf32, #tpu.memory_space<hbm>>
      %dma_wait3A_151 = arith.constant 0 : i32
      %dma_wait3A_152 = arith.constant 0 : i32
      %dma_wait3A_153 = tpu.memref_slice %arg6[%dma_wait3A_143, %dma_wait3A_151, %dma_wait3A_152] : memref<4x128x32xf32, #tpu.memory_space<vmem>> -> memref<1x128x32xf32, #tpu.memory_space<vmem>>
      %dma_wait3A_154 = tpu.memref_squeeze %dma_wait3A_153 : memref<1x128x32xf32, #tpu.memory_space<vmem>> -> memref<128x32xf32, #tpu.memory_space<vmem>>
      %dma_wait3A_155 = arith.constant 0 : i32
      %dma_wait3A_156 = arith.constant 0 : i32
      %dma_wait3A_157 = tpu.memref_slice %arg4[%dma_wait3A_155, %dma_wait3A_156] : memref<819200x32xf32, #tpu.memory_space<hbm>> -> memref<128x32xf32, #tpu.memory_space<hbm>>
      tpu.wait_dma2 semaphore(%arg8 : memref<!tpu.dma_semaphore, #tpu.memory_space<semaphore_mem>>) src(%dma_wait3A_157 : memref<128x32xf32, #tpu.memory_space<hbm>>) dst(%dma_wait3A_154 : memref<128x32xf32, #tpu.memory_space<vmem>>)
      %mul3A_158 = arith.constant 128 : i32
      %mul3A_159 = arith.muli %add3A_135, %mul3A_158 : i32
      %add3A_160 = arith.addi %mul3A_2, %mul3A_159 : i32
      %dma_start3A_161 = arith.constant 1 : i32
      %dma_start3A_162 = arith.constant 0 : i32
      %dma_start3A_163 = arith.constant 0 : i32
      %dma_start3A_164 = tpu.memref_slice %arg6[%dma_start3A_161, %dma_start3A_162, %dma_start3A_163] : memref<4x128x32xf32, #tpu.memory_space<vmem>> -> memref<1x128x32xf32, #tpu.memory_space<vmem>>
      %dma_start3A_165 = tpu.memref_squeeze %dma_start3A_164 : memref<1x128x32xf32, #tpu.memory_space<vmem>> -> memref<128x32xf32, #tpu.memory_space<vmem>>
      %dma_start3A_166 = arith.constant 0 : i32
      %dma_start3A_167 = tpu.memref_slice %arg4[%add3A_160, %dma_start3A_166] : memref<819200x32xf32, #tpu.memory_space<hbm>> -> memref<128x32xf32, #tpu.memory_space<hbm>>
      %dma_start3A_168 = arith.constant 0 : i32
      %dma_start3A_169 = tpu.memref_slice %arg4[%add3A_160, %dma_start3A_168] : memref<819200x32xf32, #tpu.memory_space<hbm>> -> memref<128x32xf32, #tpu.memory_space<hbm>>
      %dma_start3A_170 = arith.constant 0 : i32
      %dma_start3A_171 = arith.constant 0 : i32
      %dma_start3A_172 = tpu.memref_slice %arg6[%dma_start3A_161, %dma_start3A_170, %dma_start3A_171] : memref<4x128x32xf32, #tpu.memory_space<vmem>> -> memref<1x128x32xf32, #tpu.memory_space<vmem>>
      %dma_start3A_173 = tpu.memref_squeeze %dma_start3A_172 : memref<1x128x32xf32, #tpu.memory_space<vmem>> -> memref<128x32xf32, #tpu.memory_space<vmem>>
      tpu.enqueue_dma source(%dma_start3A_173 : memref<128x32xf32, #tpu.memory_space<vmem>>) target(%dma_start3A_169 : memref<128x32xf32, #tpu.memory_space<hbm>>) target_semaphore(%arg12 : memref<!tpu.dma_semaphore, #tpu.memory_space<semaphore_mem>>)
      %mul3A_174 = arith.constant 4 : i32
      %mul3A_175 = arith.muli %scan3A_92, %mul3A_174 : i32
      %add3A_176 = arith.constant 2 : i32
      %add3A_177 = arith.addi %mul3A_175, %add3A_176 : i32
      %add3A_178 = arith.constant 2 : i32
      %add3A_179 = arith.addi %add3A_177, %add3A_178 : i32
      %lt3A_180 = arith.constant 200 : i32
      %lt3A_181 = arith.cmpi slt, %add3A_179, %lt3A_180 : i32
      %convert_element_type3A_182 = arith.extui %lt3A_181 : i1 to i32
      %cond3A_183 = arith.constant 0 : i32
      %cond3A_184 = arith.cmpi ne, %convert_element_type3A_182, %cond3A_183 : i32
      scf.if %cond3A_184 {
        %add3A_258 = arith.constant 2 : i32
        %add3A_259 = arith.addi %add3A_177, %add3A_258 : i32
        %ge3A = arith.constant 4 : i32
        %ge3A_260 = arith.cmpi sge, %add3A_259, %ge3A : i32
        %convert_element_type3A_261 = arith.extui %ge3A_260 : i1 to i32
        %cond3A_262 = arith.constant 0 : i32
        %cond3A_263 = arith.cmpi ne, %convert_element_type3A_261, %cond3A_262 : i32
        scf.if %cond3A_263 {
          %dma_wait3A_277 = arith.constant 0 : i32
          %dma_wait3A_278 = arith.constant 0 : i32
          %dma_wait3A_279 = arith.constant 0 : i32
          %dma_wait3A_280 = tpu.memref_slice %arg6[%dma_wait3A_277, %dma_wait3A_278, %dma_wait3A_279] : memref<4x128x32xf32, #tpu.memory_space<vmem>> -> memref<1x128x32xf32, #tpu.memory_space<vmem>>
          %dma_wait3A_281 = tpu.memref_squeeze %dma_wait3A_280 : memref<1x128x32xf32, #tpu.memory_space<vmem>> -> memref<128x32xf32, #tpu.memory_space<vmem>>
          %dma_wait3A_282 = arith.constant 0 : i32
          %dma_wait3A_283 = arith.constant 0 : i32
          %dma_wait3A_284 = tpu.memref_slice %arg4[%dma_wait3A_282, %dma_wait3A_283] : memref<819200x32xf32, #tpu.memory_space<hbm>> -> memref<128x32xf32, #tpu.memory_space<hbm>>
          %dma_wait3A_285 = arith.constant 0 : i32
          %dma_wait3A_286 = arith.constant 0 : i32
          %dma_wait3A_287 = tpu.memref_slice %arg4[%dma_wait3A_285, %dma_wait3A_286] : memref<819200x32xf32, #tpu.memory_space<hbm>> -> memref<128x32xf32, #tpu.memory_space<hbm>>
          %dma_wait3A_288 = arith.constant 0 : i32
          %dma_wait3A_289 = arith.constant 0 : i32
          %dma_wait3A_290 = tpu.memref_slice %arg6[%dma_wait3A_277, %dma_wait3A_288, %dma_wait3A_289] : memref<4x128x32xf32, #tpu.memory_space<vmem>> -> memref<1x128x32xf32, #tpu.memory_space<vmem>>
          %dma_wait3A_291 = tpu.memref_squeeze %dma_wait3A_290 : memref<1x128x32xf32, #tpu.memory_space<vmem>> -> memref<128x32xf32, #tpu.memory_space<vmem>>
          tpu.wait_dma2 semaphore(%arg11 : memref<!tpu.dma_semaphore, #tpu.memory_space<semaphore_mem>>) src(%dma_wait3A_291 : memref<128x32xf32, #tpu.memory_space<vmem>>) dst(%dma_wait3A_287 : memref<128x32xf32, #tpu.memory_space<hbm>>)
        } else {
        }
        %add3A_264 = arith.constant 2 : i32
        %add3A_265 = arith.addi %add3A_177, %add3A_264 : i32
        %dma_start3A_266 = arith.constant 0 : i32
        %dma_start3A_267 = arith.constant 0 : i32
        %dma_start3A_268 = arith.constant 0 : i32
        %dma_start3A_269 = tpu.memref_slice %arg6[%dma_start3A_266, %dma_start3A_267, %dma_start3A_268] : memref<4x128x32xf32, #tpu.memory_space<vmem>> -> memref<1x128x32xf32, #tpu.memory_space<vmem>>
        %dma_start3A_270 = tpu.memref_squeeze %dma_start3A_269 : memref<1x128x32xf32, #tpu.memory_space<vmem>> -> memref<128x32xf32, #tpu.memory_space<vmem>>
        %dma_start3A_271 = arith.constant 0 : i32
        %dma_start3A_272 = tpu.memref_slice %arg5[%add3A_265, %dma_start3A_271] : memref<200x128xi32, #tpu.memory_space<vmem>> -> memref<1x128xi32, #tpu.memory_space<vmem>>
        %dma_start3A_273 = tpu.memref_squeeze %dma_start3A_272 : memref<1x128xi32, #tpu.memory_space<vmem>> -> memref<128xi32, #tpu.memory_space<vmem>>
        %dma_start3A_274 = arith.constant 0 : i32
        %dma_start3A_275 = arith.constant 0 : i32
        %dma_start3A_276 = tpu.memref_slice %arg2[%dma_start3A_274, %dma_start3A_275] : memref<2097152x32xf32, #tpu.memory_space<hbm>> -> memref<2097152x32xf32, #tpu.memory_space<hbm>>
        tpu.enqueue_indirect_dma source(%dma_start3A_276 : memref<2097152x32xf32, #tpu.memory_space<hbm>>) target(%dma_start3A_270 : memref<128x32xf32, #tpu.memory_space<vmem>>) offsets(%dma_start3A_273 : memref<128xi32, #tpu.memory_space<vmem>>) semaphore(%arg7 : memref<!tpu.dma_semaphore, #tpu.memory_space<semaphore_mem>>)
      } else {
      }
      %dma_wait3A_185 = arith.constant 2 : i32
      %dma_wait3A_186 = arith.constant 0 : i32
      %dma_wait3A_187 = arith.constant 0 : i32
      %dma_wait3A_188 = tpu.memref_slice %arg6[%dma_wait3A_185, %dma_wait3A_186, %dma_wait3A_187] : memref<4x128x32xf32, #tpu.memory_space<vmem>> -> memref<1x128x32xf32, #tpu.memory_space<vmem>>
      %dma_wait3A_189 = tpu.memref_squeeze %dma_wait3A_188 : memref<1x128x32xf32, #tpu.memory_space<vmem>> -> memref<128x32xf32, #tpu.memory_space<vmem>>
      %dma_wait3A_190 = arith.constant 0 : i32
      %dma_wait3A_191 = arith.constant 0 : i32
      %dma_wait3A_192 = tpu.memref_slice %arg4[%dma_wait3A_190, %dma_wait3A_191] : memref<819200x32xf32, #tpu.memory_space<hbm>> -> memref<128x32xf32, #tpu.memory_space<hbm>>
      %dma_wait3A_193 = arith.constant 0 : i32
      %dma_wait3A_194 = arith.constant 0 : i32
      %dma_wait3A_195 = tpu.memref_slice %arg6[%dma_wait3A_185, %dma_wait3A_193, %dma_wait3A_194] : memref<4x128x32xf32, #tpu.memory_space<vmem>> -> memref<1x128x32xf32, #tpu.memory_space<vmem>>
      %dma_wait3A_196 = tpu.memref_squeeze %dma_wait3A_195 : memref<1x128x32xf32, #tpu.memory_space<vmem>> -> memref<128x32xf32, #tpu.memory_space<vmem>>
      %dma_wait3A_197 = arith.constant 0 : i32
      %dma_wait3A_198 = arith.constant 0 : i32
      %dma_wait3A_199 = tpu.memref_slice %arg4[%dma_wait3A_197, %dma_wait3A_198] : memref<819200x32xf32, #tpu.memory_space<hbm>> -> memref<128x32xf32, #tpu.memory_space<hbm>>
      tpu.wait_dma2 semaphore(%arg9 : memref<!tpu.dma_semaphore, #tpu.memory_space<semaphore_mem>>) src(%dma_wait3A_199 : memref<128x32xf32, #tpu.memory_space<hbm>>) dst(%dma_wait3A_196 : memref<128x32xf32, #tpu.memory_space<vmem>>)
      %mul3A_200 = arith.constant 128 : i32
      %mul3A_201 = arith.muli %add3A_177, %mul3A_200 : i32
      %add3A_202 = arith.addi %mul3A_2, %mul3A_201 : i32
      %dma_start3A_203 = arith.constant 2 : i32
      %dma_start3A_204 = arith.constant 0 : i32
      %dma_start3A_205 = arith.constant 0 : i32
      %dma_start3A_206 = tpu.memref_slice %arg6[%dma_start3A_203, %dma_start3A_204, %dma_start3A_205] : memref<4x128x32xf32, #tpu.memory_space<vmem>> -> memref<1x128x32xf32, #tpu.memory_space<vmem>>
      %dma_start3A_207 = tpu.memref_squeeze %dma_start3A_206 : memref<1x128x32xf32, #tpu.memory_space<vmem>> -> memref<128x32xf32, #tpu.memory_space<vmem>>
      %dma_start3A_208 = arith.constant 0 : i32
      %dma_start3A_209 = tpu.memref_slice %arg4[%add3A_202, %dma_start3A_208] : memref<819200x32xf32, #tpu.memory_space<hbm>> -> memref<128x32xf32, #tpu.memory_space<hbm>>
      %dma_start3A_210 = arith.constant 0 : i32
      %dma_start3A_211 = tpu.memref_slice %arg4[%add3A_202, %dma_start3A_210] : memref<819200x32xf32, #tpu.memory_space<hbm>> -> memref<128x32xf32, #tpu.memory_space<hbm>>
      %dma_start3A_212 = arith.constant 0 : i32
      %dma_start3A_213 = arith.constant 0 : i32
      %dma_start3A_214 = tpu.memref_slice %arg6[%dma_start3A_203, %dma_start3A_212, %dma_start3A_213] : memref<4x128x32xf32, #tpu.memory_space<vmem>> -> memref<1x128x32xf32, #tpu.memory_space<vmem>>
      %dma_start3A_215 = tpu.memref_squeeze %dma_start3A_214 : memref<1x128x32xf32, #tpu.memory_space<vmem>> -> memref<128x32xf32, #tpu.memory_space<vmem>>
      tpu.enqueue_dma source(%dma_start3A_215 : memref<128x32xf32, #tpu.memory_space<vmem>>) target(%dma_start3A_211 : memref<128x32xf32, #tpu.memory_space<hbm>>) target_semaphore(%arg13 : memref<!tpu.dma_semaphore, #tpu.memory_space<semaphore_mem>>)
      %mul3A_216 = arith.constant 4 : i32
      %mul3A_217 = arith.muli %scan3A_92, %mul3A_216 : i32
      %add3A_218 = arith.constant 3 : i32
      %add3A_219 = arith.addi %mul3A_217, %add3A_218 : i32
      %add3A_220 = arith.constant 2 : i32
      %add3A_221 = arith.addi %add3A_219, %add3A_220 : i32
      %lt3A_222 = arith.constant 200 : i32
      %lt3A_223 = arith.cmpi slt, %add3A_221, %lt3A_222 : i32
      %convert_element_type3A_224 = arith.extui %lt3A_223 : i1 to i32
      %cond3A_225 = arith.constant 0 : i32
      %cond3A_226 = arith.cmpi ne, %convert_element_type3A_224, %cond3A_225 : i32
      scf.if %cond3A_226 {
        %add3A_258 = arith.constant 2 : i32
        %add3A_259 = arith.addi %add3A_219, %add3A_258 : i32
        %ge3A = arith.constant 4 : i32
        %ge3A_260 = arith.cmpi sge, %add3A_259, %ge3A : i32
        %convert_element_type3A_261 = arith.extui %ge3A_260 : i1 to i32
        %cond3A_262 = arith.constant 0 : i32
        %cond3A_263 = arith.cmpi ne, %convert_element_type3A_261, %cond3A_262 : i32
        scf.if %cond3A_263 {
          %dma_wait3A_277 = arith.constant 1 : i32
          %dma_wait3A_278 = arith.constant 0 : i32
          %dma_wait3A_279 = arith.constant 0 : i32
          %dma_wait3A_280 = tpu.memref_slice %arg6[%dma_wait3A_277, %dma_wait3A_278, %dma_wait3A_279] : memref<4x128x32xf32, #tpu.memory_space<vmem>> -> memref<1x128x32xf32, #tpu.memory_space<vmem>>
          %dma_wait3A_281 = tpu.memref_squeeze %dma_wait3A_280 : memref<1x128x32xf32, #tpu.memory_space<vmem>> -> memref<128x32xf32, #tpu.memory_space<vmem>>
          %dma_wait3A_282 = arith.constant 0 : i32
          %dma_wait3A_283 = arith.constant 0 : i32
          %dma_wait3A_284 = tpu.memref_slice %arg4[%dma_wait3A_282, %dma_wait3A_283] : memref<819200x32xf32, #tpu.memory_space<hbm>> -> memref<128x32xf32, #tpu.memory_space<hbm>>
          %dma_wait3A_285 = arith.constant 0 : i32
          %dma_wait3A_286 = arith.constant 0 : i32
          %dma_wait3A_287 = tpu.memref_slice %arg4[%dma_wait3A_285, %dma_wait3A_286] : memref<819200x32xf32, #tpu.memory_space<hbm>> -> memref<128x32xf32, #tpu.memory_space<hbm>>
          %dma_wait3A_288 = arith.constant 0 : i32
          %dma_wait3A_289 = arith.constant 0 : i32
          %dma_wait3A_290 = tpu.memref_slice %arg6[%dma_wait3A_277, %dma_wait3A_288, %dma_wait3A_289] : memref<4x128x32xf32, #tpu.memory_space<vmem>> -> memref<1x128x32xf32, #tpu.memory_space<vmem>>
          %dma_wait3A_291 = tpu.memref_squeeze %dma_wait3A_290 : memref<1x128x32xf32, #tpu.memory_space<vmem>> -> memref<128x32xf32, #tpu.memory_space<vmem>>
          tpu.wait_dma2 semaphore(%arg12 : memref<!tpu.dma_semaphore, #tpu.memory_space<semaphore_mem>>) src(%dma_wait3A_291 : memref<128x32xf32, #tpu.memory_space<vmem>>) dst(%dma_wait3A_287 : memref<128x32xf32, #tpu.memory_space<hbm>>)
        } else {
        }
        %add3A_264 = arith.constant 2 : i32
        %add3A_265 = arith.addi %add3A_219, %add3A_264 : i32
        %dma_start3A_266 = arith.constant 1 : i32
        %dma_start3A_267 = arith.constant 0 : i32
        %dma_start3A_268 = arith.constant 0 : i32
        %dma_start3A_269 = tpu.memref_slice %arg6[%dma_start3A_266, %dma_start3A_267, %dma_start3A_268] : memref<4x128x32xf32, #tpu.memory_space<vmem>> -> memref<1x128x32xf32, #tpu.memory_space<vmem>>
        %dma_start3A_270 = tpu.memref_squeeze %dma_start3A_269 : memref<1x128x32xf32, #tpu.memory_space<vmem>> -> memref<128x32xf32, #tpu.memory_space<vmem>>
        %dma_start3A_271 = arith.constant 0 : i32
        %dma_start3A_272 = tpu.memref_slice %arg5[%add3A_265, %dma_start3A_271] : memref<200x128xi32, #tpu.memory_space<vmem>> -> memref<1x128xi32, #tpu.memory_space<vmem>>
        %dma_start3A_273 = tpu.memref_squeeze %dma_start3A_272 : memref<1x128xi32, #tpu.memory_space<vmem>> -> memref<128xi32, #tpu.memory_space<vmem>>
        %dma_start3A_274 = arith.constant 0 : i32
        %dma_start3A_275 = arith.constant 0 : i32
        %dma_start3A_276 = tpu.memref_slice %arg2[%dma_start3A_274, %dma_start3A_275] : memref<2097152x32xf32, #tpu.memory_space<hbm>> -> memref<2097152x32xf32, #tpu.memory_space<hbm>>
        tpu.enqueue_indirect_dma source(%dma_start3A_276 : memref<2097152x32xf32, #tpu.memory_space<hbm>>) target(%dma_start3A_270 : memref<128x32xf32, #tpu.memory_space<vmem>>) offsets(%dma_start3A_273 : memref<128xi32, #tpu.memory_space<vmem>>) semaphore(%arg8 : memref<!tpu.dma_semaphore, #tpu.memory_space<semaphore_mem>>)
      } else {
      }
      %dma_wait3A_227 = arith.constant 3 : i32
      %dma_wait3A_228 = arith.constant 0 : i32
      %dma_wait3A_229 = arith.constant 0 : i32
      %dma_wait3A_230 = tpu.memref_slice %arg6[%dma_wait3A_227, %dma_wait3A_228, %dma_wait3A_229] : memref<4x128x32xf32, #tpu.memory_space<vmem>> -> memref<1x128x32xf32, #tpu.memory_space<vmem>>
      %dma_wait3A_231 = tpu.memref_squeeze %dma_wait3A_230 : memref<1x128x32xf32, #tpu.memory_space<vmem>> -> memref<128x32xf32, #tpu.memory_space<vmem>>
      %dma_wait3A_232 = arith.constant 0 : i32
      %dma_wait3A_233 = arith.constant 0 : i32
      %dma_wait3A_234 = tpu.memref_slice %arg4[%dma_wait3A_232, %dma_wait3A_233] : memref<819200x32xf32, #tpu.memory_space<hbm>> -> memref<128x32xf32, #tpu.memory_space<hbm>>
      %dma_wait3A_235 = arith.constant 0 : i32
      %dma_wait3A_236 = arith.constant 0 : i32
      %dma_wait3A_237 = tpu.memref_slice %arg6[%dma_wait3A_227, %dma_wait3A_235, %dma_wait3A_236] : memref<4x128x32xf32, #tpu.memory_space<vmem>> -> memref<1x128x32xf32, #tpu.memory_space<vmem>>
      %dma_wait3A_238 = tpu.memref_squeeze %dma_wait3A_237 : memref<1x128x32xf32, #tpu.memory_space<vmem>> -> memref<128x32xf32, #tpu.memory_space<vmem>>
      %dma_wait3A_239 = arith.constant 0 : i32
      %dma_wait3A_240 = arith.constant 0 : i32
      %dma_wait3A_241 = tpu.memref_slice %arg4[%dma_wait3A_239, %dma_wait3A_240] : memref<819200x32xf32, #tpu.memory_space<hbm>> -> memref<128x32xf32, #tpu.memory_space<hbm>>
      tpu.wait_dma2 semaphore(%arg10 : memref<!tpu.dma_semaphore, #tpu.memory_space<semaphore_mem>>) src(%dma_wait3A_241 : memref<128x32xf32, #tpu.memory_space<hbm>>) dst(%dma_wait3A_238 : memref<128x32xf32, #tpu.memory_space<vmem>>)
      %mul3A_242 = arith.constant 128 : i32
      %mul3A_243 = arith.muli %add3A_219, %mul3A_242 : i32
      %add3A_244 = arith.addi %mul3A_2, %mul3A_243 : i32
      %dma_start3A_245 = arith.constant 3 : i32
      %dma_start3A_246 = arith.constant 0 : i32
      %dma_start3A_247 = arith.constant 0 : i32
      %dma_start3A_248 = tpu.memref_slice %arg6[%dma_start3A_245, %dma_start3A_246, %dma_start3A_247] : memref<4x128x32xf32, #tpu.memory_space<vmem>> -> memref<1x128x32xf32, #tpu.memory_space<vmem>>
      %dma_start3A_249 = tpu.memref_squeeze %dma_start3A_248 : memref<1x128x32xf32, #tpu.memory_space<vmem>> -> memref<128x32xf32, #tpu.memory_space<vmem>>
      %dma_start3A_250 = arith.constant 0 : i32
      %dma_start3A_251 = tpu.memref_slice %arg4[%add3A_244, %dma_start3A_250] : memref<819200x32xf32, #tpu.memory_space<hbm>> -> memref<128x32xf32, #tpu.memory_space<hbm>>
      %dma_start3A_252 = arith.constant 0 : i32
      %dma_start3A_253 = tpu.memref_slice %arg4[%add3A_244, %dma_start3A_252] : memref<819200x32xf32, #tpu.memory_space<hbm>> -> memref<128x32xf32, #tpu.memory_space<hbm>>
      %dma_start3A_254 = arith.constant 0 : i32
      %dma_start3A_255 = arith.constant 0 : i32
      %dma_start3A_256 = tpu.memref_slice %arg6[%dma_start3A_245, %dma_start3A_254, %dma_start3A_255] : memref<4x128x32xf32, #tpu.memory_space<vmem>> -> memref<1x128x32xf32, #tpu.memory_space<vmem>>
      %dma_start3A_257 = tpu.memref_squeeze %dma_start3A_256 : memref<1x128x32xf32, #tpu.memory_space<vmem>> -> memref<128x32xf32, #tpu.memory_space<vmem>>
      tpu.enqueue_dma source(%dma_start3A_257 : memref<128x32xf32, #tpu.memory_space<vmem>>) target(%dma_start3A_253 : memref<128x32xf32, #tpu.memory_space<hbm>>) target_semaphore(%arg14 : memref<!tpu.dma_semaphore, #tpu.memory_space<semaphore_mem>>)
    }
    %scan3A_32 = arith.constant 50 : i32
    %dma_wait3A = arith.constant 0 : i32
    %dma_wait3A_33 = arith.constant 0 : i32
    %dma_wait3A_34 = arith.constant 0 : i32
    %dma_wait3A_35 = tpu.memref_slice %arg6[%dma_wait3A, %dma_wait3A_33, %dma_wait3A_34] : memref<4x128x32xf32, #tpu.memory_space<vmem>> -> memref<1x128x32xf32, #tpu.memory_space<vmem>>
    %dma_wait3A_36 = tpu.memref_squeeze %dma_wait3A_35 : memref<1x128x32xf32, #tpu.memory_space<vmem>> -> memref<128x32xf32, #tpu.memory_space<vmem>>
    %dma_wait3A_37 = arith.constant 0 : i32
    %dma_wait3A_38 = arith.constant 0 : i32
    %dma_wait3A_39 = tpu.memref_slice %arg4[%dma_wait3A_37, %dma_wait3A_38] : memref<819200x32xf32, #tpu.memory_space<hbm>> -> memref<128x32xf32, #tpu.memory_space<hbm>>
    %dma_wait3A_40 = arith.constant 0 : i32
    %dma_wait3A_41 = arith.constant 0 : i32
    %dma_wait3A_42 = tpu.memref_slice %arg4[%dma_wait3A_40, %dma_wait3A_41] : memref<819200x32xf32, #tpu.memory_space<hbm>> -> memref<128x32xf32, #tpu.memory_space<hbm>>
    %dma_wait3A_43 = arith.constant 0 : i32
    %dma_wait3A_44 = arith.constant 0 : i32
    %dma_wait3A_45 = tpu.memref_slice %arg6[%dma_wait3A, %dma_wait3A_43, %dma_wait3A_44] : memref<4x128x32xf32, #tpu.memory_space<vmem>> -> memref<1x128x32xf32, #tpu.memory_space<vmem>>
    %dma_wait3A_46 = tpu.memref_squeeze %dma_wait3A_45 : memref<1x128x32xf32, #tpu.memory_space<vmem>> -> memref<128x32xf32, #tpu.memory_space<vmem>>
    tpu.wait_dma2 semaphore(%arg11 : memref<!tpu.dma_semaphore, #tpu.memory_space<semaphore_mem>>) src(%dma_wait3A_46 : memref<128x32xf32, #tpu.memory_space<vmem>>) dst(%dma_wait3A_42 : memref<128x32xf32, #tpu.memory_space<hbm>>)
    %dma_wait3A_47 = arith.constant 1 : i32
    %dma_wait3A_48 = arith.constant 0 : i32
    %dma_wait3A_49 = arith.constant 0 : i32
    %dma_wait3A_50 = tpu.memref_slice %arg6[%dma_wait3A_47, %dma_wait3A_48, %dma_wait3A_49] : memref<4x128x32xf32, #tpu.memory_space<vmem>> -> memref<1x128x32xf32, #tpu.memory_space<vmem>>
    %dma_wait3A_51 = tpu.memref_squeeze %dma_wait3A_50 : memref<1x128x32xf32, #tpu.memory_space<vmem>> -> memref<128x32xf32, #tpu.memory_space<vmem>>
    %dma_wait3A_52 = arith.constant 0 : i32
    %dma_wait3A_53 = arith.constant 0 : i32
    %dma_wait3A_54 = tpu.memref_slice %arg4[%dma_wait3A_52, %dma_wait3A_53] : memref<819200x32xf32, #tpu.memory_space<hbm>> -> memref<128x32xf32, #tpu.memory_space<hbm>>
    %dma_wait3A_55 = arith.constant 0 : i32
    %dma_wait3A_56 = arith.constant 0 : i32
    %dma_wait3A_57 = tpu.memref_slice %arg4[%dma_wait3A_55, %dma_wait3A_56] : memref<819200x32xf32, #tpu.memory_space<hbm>> -> memref<128x32xf32, #tpu.memory_space<hbm>>
    %dma_wait3A_58 = arith.constant 0 : i32
    %dma_wait3A_59 = arith.constant 0 : i32
    %dma_wait3A_60 = tpu.memref_slice %arg6[%dma_wait3A_47, %dma_wait3A_58, %dma_wait3A_59] : memref<4x128x32xf32, #tpu.memory_space<vmem>> -> memref<1x128x32xf32, #tpu.memory_space<vmem>>
    %dma_wait3A_61 = tpu.memref_squeeze %dma_wait3A_60 : memref<1x128x32xf32, #tpu.memory_space<vmem>> -> memref<128x32xf32, #tpu.memory_space<vmem>>
    tpu.wait_dma2 semaphore(%arg12 : memref<!tpu.dma_semaphore, #tpu.memory_space<semaphore_mem>>) src(%dma_wait3A_61 : memref<128x32xf32, #tpu.memory_space<vmem>>) dst(%dma_wait3A_57 : memref<128x32xf32, #tpu.memory_space<hbm>>)
    %dma_wait3A_62 = arith.constant 2 : i32
    %dma_wait3A_63 = arith.constant 0 : i32
    %dma_wait3A_64 = arith.constant 0 : i32
    %dma_wait3A_65 = tpu.memref_slice %arg6[%dma_wait3A_62, %dma_wait3A_63, %dma_wait3A_64] : memref<4x128x32xf32, #tpu.memory_space<vmem>> -> memref<1x128x32xf32, #tpu.memory_space<vmem>>
    %dma_wait3A_66 = tpu.memref_squeeze %dma_wait3A_65 : memref<1x128x32xf32, #tpu.memory_space<vmem>> -> memref<128x32xf32, #tpu.memory_space<vmem>>
    %dma_wait3A_67 = arith.constant 0 : i32
    %dma_wait3A_68 = arith.constant 0 : i32
    %dma_wait3A_69 = tpu.memref_slice %arg4[%dma_wait3A_67, %dma_wait3A_68] : memref<819200x32xf32, #tpu.memory_space<hbm>> -> memref<128x32xf32, #tpu.memory_space<hbm>>
    %dma_wait3A_70 = arith.constant 0 : i32
    %dma_wait3A_71 = arith.constant 0 : i32
    %dma_wait3A_72 = tpu.memref_slice %arg4[%dma_wait3A_70, %dma_wait3A_71] : memref<819200x32xf32, #tpu.memory_space<hbm>> -> memref<128x32xf32, #tpu.memory_space<hbm>>
    %dma_wait3A_73 = arith.constant 0 : i32
    %dma_wait3A_74 = arith.constant 0 : i32
    %dma_wait3A_75 = tpu.memref_slice %arg6[%dma_wait3A_62, %dma_wait3A_73, %dma_wait3A_74] : memref<4x128x32xf32, #tpu.memory_space<vmem>> -> memref<1x128x32xf32, #tpu.memory_space<vmem>>
    %dma_wait3A_76 = tpu.memref_squeeze %dma_wait3A_75 : memref<1x128x32xf32, #tpu.memory_space<vmem>> -> memref<128x32xf32, #tpu.memory_space<vmem>>
    tpu.wait_dma2 semaphore(%arg13 : memref<!tpu.dma_semaphore, #tpu.memory_space<semaphore_mem>>) src(%dma_wait3A_76 : memref<128x32xf32, #tpu.memory_space<vmem>>) dst(%dma_wait3A_72 : memref<128x32xf32, #tpu.memory_space<hbm>>)
    %dma_wait3A_77 = arith.constant 3 : i32
    %dma_wait3A_78 = arith.constant 0 : i32
    %dma_wait3A_79 = arith.constant 0 : i32
    %dma_wait3A_80 = tpu.memref_slice %arg6[%dma_wait3A_77, %dma_wait3A_78, %dma_wait3A_79] : memref<4x128x32xf32, #tpu.memory_space<vmem>> -> memref<1x128x32xf32, #tpu.memory_space<vmem>>
    %dma_wait3A_81 = tpu.memref_squeeze %dma_wait3A_80 : memref<1x128x32xf32, #tpu.memory_space<vmem>> -> memref<128x32xf32, #tpu.memory_space<vmem>>
    %dma_wait3A_82 = arith.constant 0 : i32
    %dma_wait3A_83 = arith.constant 0 : i32
    %dma_wait3A_84 = tpu.memref_slice %arg4[%dma_wait3A_82, %dma_wait3A_83] : memref<819200x32xf32, #tpu.memory_space<hbm>> -> memref<128x32xf32, #tpu.memory_space<hbm>>
    %dma_wait3A_85 = arith.constant 0 : i32
    %dma_wait3A_86 = arith.constant 0 : i32
    %dma_wait3A_87 = tpu.memref_slice %arg4[%dma_wait3A_85, %dma_wait3A_86] : memref<819200x32xf32, #tpu.memory_space<hbm>> -> memref<128x32xf32, #tpu.memory_space<hbm>>
    %dma_wait3A_88 = arith.constant 0 : i32
    %dma_wait3A_89 = arith.constant 0 : i32
    %dma_wait3A_90 = tpu.memref_slice %arg6[%dma_wait3A_77, %dma_wait3A_88, %dma_wait3A_89] : memref<4x128x32xf32, #tpu.memory_space<vmem>> -> memref<1x128x32xf32, #tpu.memory_space<vmem>>
    %dma_wait3A_91 = tpu.memref_squeeze %dma_wait3A_90 : memref<1x128x32xf32, #tpu.memory_space<vmem>> -> memref<128x32xf32, #tpu.memory_space<vmem>>
    tpu.wait_dma2 semaphore(%arg14 : memref<!tpu.dma_semaphore, #tpu.memory_space<semaphore_mem>>) src(%dma_wait3A_91 : memref<128x32xf32, #tpu.memory_space<vmem>>) dst(%dma_wait3A_87 : memref<128x32xf32, #tpu.memory_space<hbm>>)
    return
  }
}

</mosaic_0001>

<sc_bundles>
// kernel: kernel.3.cloned.1.call-start
scs
__scs_entry_jumppad:
0x0: {  	(pc) =	sbr.rel $0x88, $3  }
0x1: {  	(tag) =	ssettag $0x0;
	lr =	simm.s32 $0x1  }
0x2: {  	[smem:$0x3F9F] =	sst lr;
	_ =	strace $0xD0000000  }
0x3: {  	_ = 	snop  }
0x4: {  	_ = 	snop  }
0x5: {  	_ = 	snop  }
0x6: {  	_ = 	snop  }
0x7: {  	_ = 	snop  }
__scs_overlays_trampoline_lowered:
0x8: {  	[smem:$0x3FAE] =	sst s0  }
0x9: {  	[smem:$0x3FAF] =	sst s1  }
0xa: {  	[smem:$0x3FB0] =	sst s2  }
0xb: {  	[smem:$0x3FB1] =	sst s3  }
0xc: {  	[smem:$0x3FB2] =	sst s4  }
0xd: {  	[smem:$0x3FB3] =	sst s5  }
0xe: {  	[smem:$0x3FB4] =	sst s6  }
0xf: {  	[smem:$0x3FB5] =	sst s7  }
0x10: {  	[smem:$0x3FB6] =	sst s8  }
0x11: {  	[smem:$0x3FB7] =	sst s9;
	s0 =	simm.s32 @!p0 $0x0  }
0x12: {  	s1 =	sld [smem:$0x3F9D];
	s0 =	simm.s32 @p0 $0x1  }
0x13: {  	[smem:$0x3FB8] =	sst s0;
	s0 =	simm.s32 @!p1 $0x0  }
0x14: {  	s2 =	sld [smem:$0x3F9C];
	s0 =	simm.s32 @p1 $0x1  }
0x15: {  	[smem:$0x3FB9] =	sst s0;
	s0 =	simm.s32 @!p2 $0x0  }
0x16: {  	s3 =	sld [smem:$0x3FDB];
	s0 =	simm.s32 @p2 $0x1  }
0x17: {  	s4 =	simm.s32 $0x1BF5;
	[smem:$0x3FBB] =	sst s0  }
0x18: {  	s0 =	sld [smem:$0x3F9E];
	_ =	swait.ge [sflag:s4], $0x0  }
0x19: {  	s7 =	sld [smem:$0x3F9F]  }
0x1a: {  	s8 =	sadd.s32 $0xFFFFE003, lr  }
0x1b: {  	s9 =	sadd.s32 $0xFFFFFEF7, lr;
	s5 =	simm.s32 $0xFFFFFFFF;
	p2 =	slt.u32 s8, $0xFFFFF086  }
0x1c: {  	p1 =	slt.u32 s9, $0xF7A;
	s5 =	simm.s32 @!p2 $0x0  }
0x1d: {  	s5 =	simm.s32 @p1 $0x1;
	p0 =	seq.s32 s7, s2  }
0x1e: {  	s7 =	smul.u32 @!p0 $0xF7A, s2;
	p2 =	seq.s32 @!p0 s5, $0x0  }
0x1f: {  	s9 =	smul.u32 $0xF7A, s1;
	s8 =	simm.s32 @!p0 $0x1BF5;
	p2 =	por !p2, p0  }
0x20: {  	[sflag:s8] =	ssyncset.s32 @!p0 $0xFFFFF086;
	s6 =	sadd.s32 @!p0 s3, s7;
	s7 =	simm.s32 @!p0 $0x108  }
0x21: {  	s3 =	sadd.s32 s3, s9;
	s6 =	sadd.s32 @!p0 $0x88, s6;
	s7 =	simm.s32 @p2 $0x1082  }
0x22: {  	[simem:s7], [sflag:s8] =	dma.local @!p0 [hbm:s6], $0xF7A  }
0x23: {  	s9 =	sor.u32 $0xD0000000, s2;
	s6 =	simm.s32 $0x108;
	_ =	swait.ge @!p0 [sflag:s8], $0x0  }
0x24: {  	s3 =	sadd.s32 $0x88, s3;
	s6 =	simm.s32 @!p1 $0x1082;
	[sflag:s4] =	ssyncset.s32 $0xFFFFF086  }
0x25: {  	[simem:s6], [sflag:s4] =	dma.local [hbm:s3], $0xF7A  }
0x26: {  	[smem:$0x3F9F] =	sst s1;
	(tag) =	ssettag s2;
	_ =	strace s9  }
0x27: {  	s1 =	sld [smem:$0x3FAF]  }
0x28: {  	s2 =	sld [smem:$0x3FB0]  }
0x29: {  	s4 =	sld [smem:$0x3FB2]  }
0x2a: {  	p0 =	seq.s32 s5, $0x0;
	s5 =	sld [smem:$0x3FB3]  }
0x2b: {  	s6 =	sld [smem:$0x3FB4]  }
0x2c: {  	s7 =	sld [smem:$0x3FB5]  }
0x2d: {  	s3 =	simm.s32 $0x108;
	s8 =	sld [smem:$0x3FB6]  }
0x2e: {  	s3 =	simm.s32 @!p0 $0x1082;
	s9 =	sld [smem:$0x3FB7]  }
0x2f: {  	lr =	sadd.s32 s0, s3;
	s0 =	sld [smem:$0x3FAE]  }
0x30: {  	s3 =	sld [smem:$0x3FB1]  }
0x31: {  	[smem:$0x3FBA] =	sst s10  }
0x32: {  	s10 =	sld [smem:$0x3FB8];
	_ =	sdelay $0x3  }
0x33: {  	p0 =	seq.s32 s10, $0x1;
	s10 =	sld [smem:$0x3FBA];
	_ =	sdelay $0x3  }
0x34: {  	[smem:$0x3FBA] =	sst s10  }
0x35: {  	s10 =	sld [smem:$0x3FB9];
	_ =	sdelay $0x3  }
0x36: {  	p1 =	seq.s32 s10, $0x1;
	s10 =	sld [smem:$0x3FBA];
	_ =	sdelay $0x3  }
0x37: {  	[smem:$0x3FBA] =	sst s10  }
0x38: {  	s10 =	sld [smem:$0x3FBB]  }
0x39: {  	_ = 	snop;
	(pc) =	sbr.ind lr, $3  }
0x3a: {  	_ = 	snop  }
0x3b: {  	_ = 	snop  }
0x3c: {  	p2 =	seq.s32 s10, $0x1;
	s10 =	sld [smem:$0x3FBA]  }
0x3d: {  	_ =	shalt  }
0x3e: {  	_ =	shalt  }
0x3f: {  	_ =	shalt  }
0x40: {  	_ =	shalt  }
0x41: {  	_ =	shalt  }
0x42: {  	_ =	shalt  }
0x43: {  	_ =	shalt  }
0x44: {  	_ =	shalt  }
0x45: {  	_ =	shalt  }
0x46: {  	_ =	shalt  }
0x47: {  	_ =	shalt  }
0x48: {  	_ =	shalt  }
0x49: {  	_ =	shalt  }
0x4a: {  	_ =	shalt  }
0x4b: {  	_ =	shalt  }
0x4c: {  	_ =	shalt  }
0x4d: {  	_ =	shalt  }
0x4e: {  	_ =	shalt  }
0x4f: {  	_ =	shalt  }
0x50: {  	_ =	shalt  }
0x51: {  	_ =	shalt  }
0x52: {  	_ =	shalt  }
0x53: {  	_ =	shalt  }
0x54: {  	_ =	shalt  }
0x55: {  	_ =	shalt  }
0x56: {  	_ =	shalt  }
0x57: {  	_ =	shalt  }
0x58: {  	_ =	shalt  }
0x59: {  	_ =	shalt  }
0x5a: {  	_ =	shalt  }
0x5b: {  	_ =	shalt  }
0x5c: {  	_ =	shalt  }
0x5d: {  	_ =	shalt  }
0x5e: {  	_ =	shalt  }
0x5f: {  	_ =	shalt  }
0x60: {  	_ =	shalt  }
0x61: {  	_ =	shalt  }
0x62: {  	_ =	shalt  }
0x63: {  	_ =	shalt  }
0x64: {  	_ =	shalt  }
0x65: {  	_ =	shalt  }
0x66: {  	_ =	shalt  }
0x67: {  	_ =	shalt  }
0x68: {  	_ =	shalt  }
0x69: {  	_ =	shalt  }
0x6a: {  	_ =	shalt  }
0x6b: {  	_ =	shalt  }
0x6c: {  	_ =	shalt  }
0x6d: {  	_ =	shalt  }
0x6e: {  	_ =	shalt  }
0x6f: {  	_ =	shalt  }
0x70: {  	_ =	shalt  }
0x71: {  	_ =	shalt  }
0x72: {  	_ =	shalt  }
0x73: {  	_ =	shalt  }
0x74: {  	_ =	shalt  }
0x75: {  	_ =	shalt  }
0x76: {  	_ =	shalt  }
0x77: {  	_ =	shalt  }
0x78: {  	_ =	shalt  }
0x79: {  	_ =	shalt  }
0x7a: {  	_ =	shalt  }
0x7b: {  	_ =	shalt  }
0x7c: {  	_ =	shalt  }
0x7d: {  	_ =	shalt  }
0x7e: {  	_ =	shalt  }
0x7f: {  	_ =	shalt  }
0x80: {  	_ =	shalt  }
0x81: {  	_ =	shalt  }
0x82: {  	_ =	shalt  }
0x83: {  	_ =	shalt  }
0x84: {  	_ =	shalt  }
0x85: {  	_ =	shalt  }
0x86: {  	_ =	shalt  }
0x87: {  	_ =	shalt  }
.Lfunc_end0:
.L_simem_size_0:
called_computation.1_lowered:
.L_overlay_start_0:
0x88: {  	s2 =	sld [smem:$0x3FD9]  }
0x89: {  	s3 =	sld [smem:$0x3FFE];
	_ =	sdelay $0x1  }
0x8a: {  	s1 =	srdreg.scid  }
0x8b: {  	s0 =	sand.u32 $0x1, s1  }
0x8c: {  	s17 =	sshll.u32 s0, $0xA;
	s2 =	sadd.s32 s3, s2  }
0x8d: {  	s2 =	sadd.s32 s2, s17  }
0x8e: {  	[smem:$0x3FC6] =	sst s2  }
0x8f: {  	_ = 	snop  }
0x90: {  	s2 =	sld [smem:$0x3FD0];
	(tm) =	ssettm $0x1  }
0x91: {  	s18 =	sld [smem:$0x3FFB];
	_ =	sdelay $0x3  }
0x92: {  	_ =	strace s18  }
0x93: {  	s3 =	sld [smem:$0x3FFC];
	_ =	sdelay $0x3  }
0x94: {  	_ =	strace s3  }
0x95: {  	s3 =	sld [smem:$0x3FFD];
	_ =	sdelay $0x3  }
0x96: {  	_ =	strace s3  }
0x97: {  	_ =	strace $0x8FFFFFFF  }
0x98: {  	s19 =	sld [smem:$0x3FDB];
	_ =	sdelay $0x1  }
0x99: {  	s4 =	simm.s32 $_scs_section_size  }
0x9a: {  	s5 =	simm.s32 $_size__tile_overlayer_lowered;
	s6 =	simm.s32 $_tile_overlayer_lowered  }
0x9b: {  	s22 =	simm.s32 $0x1BFF;
	s21 =	sshll.u32 s6, $0x1;
	s3 =	sadd.s32 s4, s19  }
0x9c: {  	s7 =	simm.s32 $0x0;
	s20 =	sshll.u32 s5, $0x1;
	s5 =	sadd.s32 s21, s3  }
0x9d: {  	[timem:s7], [sflag:s22] =	dma.local [hbm:s5], s20  }
0x9e: {  	_ =	swait.ge [sflag:s22], s20  }
0x9f: {  	s4 =	ssub.s32 $0x0, s20;
	[sflag:s22] =	ssyncset.done $0x0  }
0xa0: {  	[sflag:s22] =	ssyncadd.s32 s4;
	_ =	sdelay $0x1  }
0xa1: {  	s23 =	simm.s32 $0x1B8B  }
0xa2: {  	_ =	swait.ge [sflag:s23], $0x1  }
0xa3: {  	[sflag:s23] =	ssyncset.done $0x0  }
0xa4: {  	s25 =	simm.s32 $0x1B8E;
	s24 =	sld [smem:$0x3FFE];
	[sflag:s23] =	ssyncadd.s32 $0xFFFFFFFF  }
0xa5: {  	s26 =	simm.s32 $execute0_lowered;
	[smem:$0x3FD2] =	sst s25  }
0xa6: {  	s5 =	sshll.u32 s26, $0x1;
	_ =	strace $0x80000046;
	[dreg:$0x1] =	wrdreg $0xFFFFFFFF  }
0xa7: {  	s28 =	simm.s32 $_size_execute0_lowered;
	s3 =	sadd.s32 s3, s5;
	[dreg:$0x0] =	wrdreg $0x0  }
0xa8: {  	s5 =	sshll.u32 s28, $0x1;
	[dreg:$0x2] =	wrdreg s3  }
0xa9: {  	[dreg:$0x3] =	wrdreg s5  }
0xaa: {  	[dreg:$0x4] =	wrdreg $0xC0  }
0xab: {  	_ =	task [dreg:s7], $0x5FFFF  }
0xac: {  	[dreg:$0x1] =	wrdreg $0xFFFFFFFF  }
0xad: {  	[dreg:$0x0] =	wrdreg $0x60  }
0xae: {  	[dreg:$0x2] =	wrdreg s24  }
0xaf: {  	[dreg:$0x3] =	wrdreg s2  }
0xb0: {  	[dreg:$0x4] =	wrdreg $0x9  }
0xb1: {  	_ =	task.clear_ibuf [dreg:s7], $0x5FFFF;
	_ =	strace $0x90000046  }
0xb2: {  	s29 =	simm.s32 $0x9;
	_ =	strace $0x80000048  }
0xb3: {  	_ =	swait.ge [sflag:s29], $0x1  }
0xb4: {  	[sflag:s29] =	ssyncadd.s32 $0xFFFFFFFF  }
0xb5: {  	_ =	strace $0x90000048  }
0xb6: {  	_ =	sfence  }
0xb7: {  	s30 =	sld [smem:$0x0];
	_ =	sdelay $0x2  }
0xb8: {  	s31 =	sshll.u32 s1, $0xD;
	s1 =	sshrl.u32 s1, $0x2  }
0xb9: {  	s3 =	sand.u32 $0x4000, s31;
	s1 =	sadd.s32 s1, s30  }
0xba: {  	s0 =	sor.u32 s3, s0;
	s1 =	sshll.u32 s1, $0x11  }
0xbb: {  	s0 =	sor.u32 s1, s0  }
0xbc: {  	s0 =	sadd.s32 $0x8F2B, s0  }
0xbd: {  	[sflag:s0] =	ssyncadd.remote.s32 $0x1  }
0xbe: {  	_ =	sfence.sel $0xFFFF  }
0xbf: {  	[dreg:$0x0] =	wrdreg $0xFFFFFFFF;
	(pc) =	sbr.abs _section_cstart, $3  }
0xc0: {  	[dreg:$0x1] =	wrdreg $0xFFFFFFFF  }
0xc1: {  	_ =	task.clear_ibuf [dreg:s7], $0x2FFFF;
	_ =	strace $0x9FFFFFFF  }
0xc2: {  	(tm) =	ssettm $0x7FFFFFFF  }
0xc3: {  	_ =	shalt  }
tec
execute0_lowered:
.L_overlay_start_1:
0x0: {  	(tag) =	ssettag $0x1  }
0x1: {  	s1 =	srdreg.scid  }
0x2: {  	s0 =	stileid.u32;
	s4 =	rddreg [dreg:$0x0]  }
0x3: {  	s6 =	rddreg [dreg:$0x1];
	s2 =	simm.s32 $0x0;
	s14 =	simm.s32 $0x1  }
0x4: {  	s15 =	simm.s32 $0x9400;
	s16 =	simm.s32 $0x2;
	s17 =	simm.s32 $0x3  }
0x5: {  	s18 =	simm.s32 $0x4;
	s19 =	simm.s32 $0x5;
	s20 =	simm.s32 $0x6  }
0x6: {  	s21 =	simm.s32 $0x7;
	s5 =	sand.u32 $0x1, s1;
	s8 =	smul.u32 $0x32000, s0  }
0x7: {  	s22 =	sshll.u32 s0, $0x1;
	[smem:$0x7FF] =	sst s2;
	s11 =	smul.u32 $0x190000, s0  }
0x8: {  	s10 =	sadd.s32 $0x800A00, s4;
	s3 =	sor.u32 s5, s22;
	s9 =	smul.u32 $0x19000, s5  }
0x9: {  	_ =	strace $0x80000047;
	s23 =	ssub.s32 $0x2, s5;
	s13 =	smul.u32 $0xC8000, s5  }
0xa: {  	s22 =	simm.s32 $0x8;
	s7 =	smul.u32 $0xC80, s3;
	s12 =	sshrl.u32 s23, $0x1  }
0xb: {  	s3 =	sadd.s32 $0xA00, s4;
	s8 =	sadd.s32 s8, s10;
	s24 =	ssub.s32 s23, s12  }
0xc: {  	s26 =	sadd.s32 s9, s8;
	s28 =	sadd.s32 s13, s11;
	s11 =	simm.s32 $0x6400  }
0xd: {  	s12 =	simm.s32 $0x7400;
	s13 =	simm.s32 $0x8400;
	s23 =	simm.s32 $0x0  }
0xe: {  	s25 =	sadd.s32 s6, s7;
	s5 =	smax.u32 s24, $0x1;
	s6 =	sadd.s32 $0x200, s26  }
0xf: {  	s29 =	sshrl.u32 s28, $0x3;
	s30 =	sor.u32 $0x3000, s28;
	s7 =	sor.u32 $0x2000, s28  }
0x10: {  	[dreg:$0x4] =	wrdreg s25;
	s8 =	sadd.s32 s29, s10;
	s9 =	sshrl.u32 s30, $0x3  }
0x11: {  	s31 =	sshrl.u32 s7, $0x3;
	[dreg:$0x3] =	wrdreg s8;
	s7 =	sadd.s32 s9, s10  }
0x12: {  	s8 =	sadd.s32 s31, s10;
	s9 =	simm.s32 $0x9;
	s10 =	simm.s32 $0x80  }
.LBB2_1:
0x13: {  	s0 =	rddreg [dreg:$0x4]  }
0x14: {  	[tilespmem:s2], [sflag:$0x9] =	stream.linear.gather [hbm4b:s0+s2], $0x6400, $0x38;
	[tilespmem:$0xA400] =	vst v63  }
0x15: {  	_ =	swait.ge [sflag:s9], $0x6400  }
0x16: {  	[sflag:s9] =	ssyncset.done $0x0  }
0x17: {  	p0 =	por $0x1, $0x1;
	[sflag:s9] =	ssyncadd.s32 $0xFFFF9C00  }
0x18: {  	[tilespmem:s11], [sflag:$0x1] =	stream.indirect.gather [hbm4b:s3+s10], $0x20, s2, s10, $0xb8;
	[tilespmem:$0xA400] =	vst v63  }
0x19: {  	s24 =	simm.s32 @!p0 $0x7  }
0x1a: {  	[tilespmem:s12], [sflag:$0x2] =	stream.indirect.gather [hbm4b:s3+s10], $0x20, s10, s10, $0xb8;
	[tilespmem:$0xA400] =	vst v63  }
0x1b: {  	_ =	swait.ge @!p0 [sflag:s24], $0x1000  }
0x1c: {  	[sflag:s24] =	ssyncset.done @!p0 $0x0  }
0x1d: {  	s25 =	simm.s32 $0x100;
	[sflag:s24] =	ssyncadd.s32 @!p0 $0xFFFFF000  }
0x1e: {  	[tilespmem:s13], [sflag:$0x3] =	stream.indirect.gather [hbm4b:s3+s10], $0x20, s25, s10, $0xb8;
	[tilespmem:$0xA400] =	vst v63  }
0x1f: {  	_ =	swait.ge [sflag:s14], $0x1000  }
0x20: {  	s26 =	rddreg [dreg:$0x3];
	[sflag:s14] =	ssyncset.done $0x0  }
0x21: {  	s25 =	simm.s32 @!p0 $0x8;
	[sflag:s14] =	ssyncadd.s32 $0xFFFFF000;
	s24 =	sadd.s32 $0x0, s26  }
0x22: {  	[hbm4b:s24+s2] =	stream.linear.scatter [tilespmem:s11], [sflag:$0x5], $0x1000, $0x38;
	[tilespmem:$0xA400] =	vst v63  }
0x23: {  	_ =	swait.ge @!p0 [sflag:s25], $0x1000  }
0x24: {  	[sflag:s25] =	ssyncset.done @!p0 $0x0  }
0x25: {  	s29 =	simm.s32 $0x180;
	[sflag:s25] =	ssyncadd.s32 @!p0 $0xFFFFF000  }
0x26: {  	[tilespmem:s15], [sflag:$0x4] =	stream.indirect.gather [hbm4b:s3+s10], $0x20, s29, s10, $0xb8;
	[tilespmem:$0xA400] =	vst v63  }
0x27: {  	_ =	swait.ge [sflag:s16], $0x1000  }
0x28: {  	p0 =	por $0x0, $0x0;
	[sflag:s16] =	ssyncset.done $0x0  }
0x29: {  	s30 =	sadd.s32 $0x0, s6;
	s25 =	simm.s32 @!p0 $0x5;
	[sflag:s16] =	ssyncadd.s32 $0xFFFFF000  }
0x2a: {  	[hbm4b:s30+s2] =	stream.linear.scatter [tilespmem:s12], [sflag:$0x6], $0x1000, $0x38;
	[tilespmem:$0xA400] =	vst v63  }
0x2b: {  	_ =	swait.ge @!p0 [sflag:s25], $0x1000  }
0x2c: {  	s24 =	simm.s32 @!p0 $0x200;
	[sflag:s25] =	ssyncset.done @!p0 $0x0  }
0x2d: {  	s26 =	simm.s32 @!p0 $0x80;
	s28 =	simm.s32 @!p0 $0x6400;
	[sflag:s25] =	ssyncadd.s32 @!p0 $0xFFFFF000  }
0x2e: {  	[tilespmem:s28], [sflag:$0x1] =	stream.indirect.gather @!p0 [hbm4b:s3+s26], $0x20, s24, s26, $0xb8;
	[tilespmem:$0xA400] =	vst v63  }
0x2f: {  	_ =	swait.ge [sflag:s17], $0x1000  }
0x30: {  	[sflag:s17] =	ssyncset.done $0x0  }
0x31: {  	s31 =	sadd.s32 $0x0, s8;
	s25 =	simm.s32 @!p0 $0x6;
	[sflag:s17] =	ssyncadd.s32 $0xFFFFF000  }
0x32: {  	[hbm4b:s31+s2] =	stream.linear.scatter [tilespmem:s13], [sflag:$0x7], $0x1000, $0x38;
	[tilespmem:$0xA400] =	vst v63  }
0x33: {  	_ =	swait.ge @!p0 [sflag:s25], $0x1000  }
0x34: {  	[sflag:s25] =	ssyncset.done @!p0 $0x0  }
0x35: {  	s24 =	simm.s32 @!p0 $0x280;
	s28 =	simm.s32 @!p0 $0x7400;
	[sflag:s25] =	ssyncadd.s32 @!p0 $0xFFFFF000  }
0x36: {  	[tilespmem:s28], [sflag:$0x2] =	stream.indirect.gather @!p0 [hbm4b:s3+s26], $0x20, s24, s26, $0xb8;
	[tilespmem:$0xA400] =	vst v63  }
0x37: {  	p1 =	por $0x0, $0x0;
	s25 =	simm.s32 $0x800;
	s26 =	sadd.s32 $0x0, s7  }
0x38: {  	s28 =	simm.s32 $0x1000;
	s24 =	sadd.s32 $0x800, s7;
	_ =	swait.ge [sflag:s18], $0x1000  }
.LBB2_2:
0x39: {  	[sflag:s18] =	ssyncset.done $0x0  }
0x3a: {  	s30 =	simm.s32 @!p1 $0x7;
	[sflag:s18] =	ssyncadd.s32 $0xFFFFF000  }
0x3b: {  	[hbm4b:s26+s2] =	stream.linear.scatter [tilespmem:s15], [sflag:$0x8], $0x1000, $0x38;
	[tilespmem:$0xA400] =	vst v63  }
0x3c: {  	_ =	swait.ge @!p1 [sflag:s30], $0x1000  }
0x3d: {  	s1 =	sshra.s32 s25, $0x2;
	[sflag:s30] =	ssyncset.done @!p1 $0x0  }
0x3e: {  	s29 =	smov.u32 s28;
	s0 =	sadd.s32 $0x100, s1;
	[sflag:s30] =	ssyncadd.s32 @!p1 $0xFFFFF000  }
0x3f: {  	[tilespmem:s13], [sflag:$0x3] =	stream.indirect.gather [hbm4b:s3+s10], $0x20, s0, s10, $0xb8;
	[tilespmem:$0xA400] =	vst v63  }
0x40: {  	s31 =	sadd.s32 s29, s7;
	s26 =	smov.u32 s24;
	_ =	swait.ge [sflag:s14], $0x1000  }
0x41: {  	s24 =	smov.u32 s31;
	s31 =	rddreg [dreg:$0x3];
	[sflag:s14] =	ssyncset.done $0x0  }
0x42: {  	s30 =	simm.s32 @!p1 $0x8;
	[sflag:s14] =	ssyncadd.s32 $0xFFFFF000;
	s0 =	sadd.s32 s25, s31  }
0x43: {  	[hbm4b:s0+s2] =	stream.linear.scatter [tilespmem:s11], [sflag:$0x5], $0x1000, $0x38;
	[tilespmem:$0xA400] =	vst v63  }
0x44: {  	_ =	swait.ge @!p1 [sflag:s30], $0x1000  }
0x45: {  	[sflag:s30] =	ssyncset.done @!p1 $0x0  }
0x46: {  	s4 =	sadd.s32 $0x180, s1;
	[sflag:s30] =	ssyncadd.s32 @!p1 $0xFFFFF000  }
0x47: {  	[tilespmem:s15], [sflag:$0x4] =	stream.indirect.gather [hbm4b:s3+s10], $0x20, s4, s10, $0xb8;
	[tilespmem:$0xA400] =	vst v63  }
0x48: {  	_ =	swait.ge [sflag:s16], $0x1000  }
0x49: {  	p1 =	seq.s32 s25, $0x18800;
	[sflag:s16] =	ssyncset.done $0x0  }
0x4a: {  	s31 =	sadd.s32 s25, s6;
	s1 =	simm.s32 @!p1 $0x5;
	[sflag:s16] =	ssyncadd.s32 $0xFFFFF000  }
0x4b: {  	[hbm4b:s31+s2] =	stream.linear.scatter [tilespmem:s12], [sflag:$0x6], $0x1000, $0x38;
	[tilespmem:$0xA400] =	vst v63  }
0x4c: {  	_ =	swait.ge @!p1 [sflag:s1], $0x1000  }
0x4d: {  	s30 =	sshra.s32 @!p1 s25, $0x2;
	s4 =	simm.s32 @!p1 $0x6400;
	[sflag:s1] =	ssyncset.done @!p1 $0x0  }
0x4e: {  	s0 =	sadd.s32 @!p1 $0x200, s30;
	s31 =	simm.s32 @!p1 $0x80;
	[sflag:s1] =	ssyncadd.s32 @!p1 $0xFFFFF000  }
0x4f: {  	[tilespmem:s4], [sflag:$0x1] =	stream.indirect.gather @!p1 [hbm4b:s3+s31], $0x20, s0, s31, $0xb8;
	[tilespmem:$0xA400] =	vst v63  }
0x50: {  	s28 =	sadd.s32 $0x800, s28;
	_ =	swait.ge [sflag:s17], $0x1000  }
0x51: {  	p0 =	sne.s32 s28, $0x19000;
	[sflag:s17] =	ssyncset.done $0x0  }
0x52: {  	s1 =	simm.s32 @!p1 $0x6;
	s4 =	sadd.s32 s25, s8;
	[sflag:s17] =	ssyncadd.s32 $0xFFFFF000  }
0x53: {  	[hbm4b:s4+s2] =	stream.linear.scatter [tilespmem:s13], [sflag:$0x7], $0x1000, $0x38;
	[tilespmem:$0xA400] =	vst v63  }
.Ltmp0:
0x54: {  	_ =	swait.ge @!p1 [sflag:s1], $0x1000;
	(pc) =	sbr.rel @p0 .LBB2_2-.Ltmp0, $4  }
0x55: {  	s30 =	sadd.s32 @!p1 $0x280, s30;
	[sflag:s1] =	ssyncset.done @!p1 $0x0  }
0x56: {  	s25 =	smov.u32 s29;
	s0 =	simm.s32 @!p1 $0x7400;
	[sflag:s1] =	ssyncadd.s32 @!p1 $0xFFFFF000  }
0x57: {  	[tilespmem:s0], [sflag:$0x2] =	stream.indirect.gather @!p1 [hbm4b:s3+s31], $0x20, s30, s31, $0xb8;
	[tilespmem:$0xA400] =	vst v63  }
0x58: {  	p1 =	seq.s32 s25, $0x0;
	_ =	swait.ge [sflag:s18], $0x1000  }
0x59: {  	[sflag:s18] =	ssyncset.done $0x0  }
0x5a: {  	s0 =	simm.s32 @!p1 $0x7;
	[sflag:s18] =	ssyncadd.s32 $0xFFFFF000  }
0x5b: {  	[hbm4b:s26+s2] =	stream.linear.scatter [tilespmem:s15], [sflag:$0x8], $0x1000, $0x38;
	[tilespmem:$0xA400] =	vst v63  }
0x5c: {  	_ =	swait.ge @!p1 [sflag:s0], $0x1000  }
0x5d: {  	s1 =	sshra.s32 s25, $0x2;
	[sflag:s0] =	ssyncset.done @!p1 $0x0  }
0x5e: {  	s4 =	sadd.s32 $0x100, s1;
	[sflag:s0] =	ssyncadd.s32 @!p1 $0xFFFFF000  }
0x5f: {  	[tilespmem:s13], [sflag:$0x3] =	stream.indirect.gather [hbm4b:s3+s10], $0x20, s4, s10, $0xb8;
	[tilespmem:$0xA400] =	vst v63  }
0x60: {  	_ =	swait.ge [sflag:s14], $0x1000  }
0x61: {  	s28 =	rddreg [dreg:$0x3];
	[sflag:s14] =	ssyncset.done $0x0  }
0x62: {  	s4 =	simm.s32 @!p1 $0x8;
	[sflag:s14] =	ssyncadd.s32 $0xFFFFF000;
	s0 =	sadd.s32 s25, s28  }
0x63: {  	[hbm4b:s0+s2] =	stream.linear.scatter [tilespmem:s11], [sflag:$0x5], $0x1000, $0x38;
	[tilespmem:$0xA400] =	vst v63  }
0x64: {  	_ =	swait.ge @!p1 [sflag:s4], $0x1000  }
0x65: {  	[sflag:s4] =	ssyncset.done @!p1 $0x0  }
0x66: {  	s29 =	sadd.s32 $0x180, s1;
	[sflag:s4] =	ssyncadd.s32 @!p1 $0xFFFFF000  }
0x67: {  	[tilespmem:s15], [sflag:$0x4] =	stream.indirect.gather [hbm4b:s3+s10], $0x20, s29, s10, $0xb8;
	[tilespmem:$0xA400] =	vst v63  }
0x68: {  	_ =	swait.ge [sflag:s16], $0x1000  }
0x69: {  	p0 =	seq.s32 s25, $0x18800;
	[sflag:s16] =	ssyncset.done $0x0  }
0x6a: {  	s30 =	sadd.s32 s25, s6;
	s1 =	simm.s32 @!p0 $0x5;
	[sflag:s16] =	ssyncadd.s32 $0xFFFFF000  }
0x6b: {  	[hbm4b:s30+s2] =	stream.linear.scatter [tilespmem:s12], [sflag:$0x6], $0x1000, $0x38;
	[tilespmem:$0xA400] =	vst v63  }
0x6c: {  	_ =	swait.ge @!p0 [sflag:s1], $0x1000  }
0x6d: {  	s26 =	simm.s32 @!p0 $0x80;
	s0 =	sshra.s32 @!p0 s25, $0x2;
	[sflag:s1] =	ssyncset.done @!p0 $0x0  }
0x6e: {  	s28 =	simm.s32 @!p0 $0x6400;
	s4 =	sadd.s32 @!p0 $0x200, s0;
	[sflag:s1] =	ssyncadd.s32 @!p0 $0xFFFFF000  }
0x6f: {  	[tilespmem:s28], [sflag:$0x1] =	stream.indirect.gather @!p0 [hbm4b:s3+s26], $0x20, s4, s26, $0xb8;
	[tilespmem:$0xA400] =	vst v63  }
0x70: {  	_ =	swait.ge [sflag:s17], $0x1000  }
0x71: {  	[sflag:s17] =	ssyncset.done $0x0  }
0x72: {  	s31 =	sadd.s32 s25, s8;
	s4 =	simm.s32 @!p0 $0x6;
	[sflag:s17] =	ssyncadd.s32 $0xFFFFF000  }
0x73: {  	[hbm4b:s31+s2] =	stream.linear.scatter [tilespmem:s13], [sflag:$0x7], $0x1000, $0x38;
	[tilespmem:$0xA400] =	vst v63  }
0x74: {  	_ =	swait.ge @!p0 [sflag:s4], $0x1000  }
0x75: {  	[sflag:s4] =	ssyncset.done @!p0 $0x0  }
0x76: {  	s0 =	sadd.s32 @!p0 $0x280, s0;
	s1 =	simm.s32 @!p0 $0x7400;
	[sflag:s4] =	ssyncadd.s32 @!p0 $0xFFFFF000  }
0x77: {  	[tilespmem:s1], [sflag:$0x2] =	stream.indirect.gather @!p0 [hbm4b:s3+s26], $0x20, s0, s26, $0xb8;
	[tilespmem:$0xA400] =	vst v63  }
0x78: {  	_ =	swait.ge [sflag:s18], $0x1000  }
0x79: {  	[sflag:s18] =	ssyncset.done $0x0  }
0x7a: {  	[sflag:s18] =	ssyncadd.s32 $0xFFFFF000  }
0x7b: {  	[hbm4b:s24+s2] =	stream.linear.scatter [tilespmem:s15], [sflag:$0x8], $0x1000, $0x38;
	[tilespmem:$0xA400] =	vst v63  }
0x7c: {  	_ =	swait.ge [sflag:s19], $0x1000  }
0x7d: {  	[sflag:s19] =	ssyncset.done $0x0  }
0x7e: {  	[sflag:s19] =	ssyncadd.s32 $0xFFFFF000  }
0x7f: {  	_ =	swait.ge [sflag:s20], $0x1000  }
0x80: {  	[sflag:s20] =	ssyncset.done $0x0  }
0x81: {  	s23 =	sadd.s32 $0x1, s23;
	[sflag:s20] =	ssyncadd.s32 $0xFFFFF000  }
0x82: {  	p0 =	sne.s32 s23, s5;
	_ =	swait.ge [sflag:s21], $0x1000  }
.Ltmp1:
0x83: {  	[sflag:s21] =	ssyncset.done $0x0;
	(pc) =	sbr.rel @p0 .LBB2_1-.Ltmp1, $4  }
0x84: {  	[sflag:s21] =	ssyncadd.s32 $0xFFFFF000  }
0x85: {  	_ =	swait.ge [sflag:s22], $0x1000  }
0x86: {  	[sflag:s22] =	ssyncset.done $0x0  }
0x87: {  	[sflag:s22] =	ssyncadd.s32 $0xFFFFF000  }
0x88: {  	_ =	sfence.sel $0x180000  }
0x89: {  	[bflag:$0x0] =	sbarrier.arrive $0xFFFF  }
0x8a: {  	_ =	strace $0x90000047  }
0x8b: {  	s0 =	stileid.u32;
	[bflag:$0x2] =	sbarrier.arrive $0xFFFF  }
0x8c: {  	p0 =	sne.s32 s0, $0x0;
	s0 =	rddreg [dreg:$0x2]  }
0x8d: {  	s0 =	sadd.s32 @!p0 $0x100000, s0  }
0x8e: {  	[sflag:s0] =	ssyncadd.tile.s32 @!p0 $0x1;
	_ =	shalt  }
.Lfunc_end2:
_tile_overlayer_lowered:
.L_overlay_start_2:
0x8f: {  	(tag) =	ssettag $0x2  }
0x90: {  	s0 =	rddreg [dreg:$0x0];
	s2 =	stileid.u32  }
0x91: {  	s1 =	rddreg [dreg:$0x1];
	p0 =	sne.s32 s2, $0x0  }
0x92: {  	s3 =	rddreg [dreg:$0x2];
	[bflag:$0x3] =	sbarrier.arrive $0xFFFF;
	s2 =	simm.s32 @!p0 $0x1C09  }
0x93: {  	[timem:s3], [sflag:s2] =	dma.local @!p0 [hbm:s0], s1  }
0x94: {  	s0 =	simm.s32 @!p0 $0x9  }
0x95: {  	_ =	swait.ge @!p0 [sflag:s0], s1  }
0x96: {  	s1 =	ssub.s32 @!p0 $0x0, s1;
	[sflag:s0] =	ssyncset.done @!p0 $0x0  }
0x97: {  	[sflag:s0] =	ssyncadd.s32 @!p0 s1  }
0x98: {  	[bflag:$0x3] =	sbarrier.arrive $0xFFFF  }
0x99: {  	_ =	shalt  }

// kernel: sparse-core-data-format-call.cloned.1.call-start
scs
called_computation_lowered:
.L_overlay_start_0:
0x0: {  	s2 =	sld [smem:$0x3FD9]  }
0x1: {  	s3 =	sld [smem:$0x3FFE];
	_ =	sdelay $0x1  }
0x2: {  	s1 =	srdreg.scid  }
0x3: {  	s0 =	sand.u32 $0x1, s1  }
0x4: {  	s18 =	sshll.u32 s0, $0xA;
	s2 =	sadd.s32 s3, s2  }
0x5: {  	s2 =	sadd.s32 s2, s18  }
0x6: {  	[smem:$0x3FC6] =	sst s2  }
0x7: {  	_ = 	snop  }
0x8: {  	s2 =	sld [smem:$0x3FD0];
	(tm) =	ssettm $0x1  }
0x9: {  	s19 =	sld [smem:$0x3FFB];
	_ =	sdelay $0x3  }
0xa: {  	_ =	strace s19  }
0xb: {  	s3 =	sld [smem:$0x3FFC];
	_ =	sdelay $0x3  }
0xc: {  	_ =	strace s3  }
0xd: {  	s3 =	sld [smem:$0x3FFD];
	_ =	sdelay $0x3  }
0xe: {  	_ =	strace s3  }
0xf: {  	_ =	strace $0x8FFFFFFF  }
0x10: {  	s20 =	sld [smem:$0x3FDB];
	_ =	sdelay $0x1  }
0x11: {  	s4 =	simm.s32 $_scs_section_size  }
0x12: {  	s5 =	simm.s32 $_size__tile_overlayer_lowered;
	s6 =	simm.s32 $_tile_overlayer_lowered  }
0x13: {  	s23 =	simm.s32 $0x1BFF;
	s22 =	sshll.u32 s6, $0x1;
	s3 =	sadd.s32 s4, s20  }
0x14: {  	s7 =	simm.s32 $0x0;
	s21 =	sshll.u32 s5, $0x1;
	s5 =	sadd.s32 s22, s3  }
0x15: {  	[timem:s7], [sflag:s23] =	dma.local [hbm:s5], s21  }
0x16: {  	_ =	swait.ge [sflag:s23], s21  }
0x17: {  	s4 =	ssub.s32 $0x0, s21;
	[sflag:s23] =	ssyncset.done $0x0  }
0x18: {  	[sflag:s23] =	ssyncadd.s32 s4;
	_ =	sdelay $0x1  }
0x19: {  	s24 =	simm.s32 $0x1B8B  }
0x1a: {  	_ =	swait.ge [sflag:s24], $0x1  }
0x1b: {  	[sflag:s24] =	ssyncset.done $0x0  }
0x1c: {  	s26 =	simm.s32 $0x1B8E;
	s25 =	sld [smem:$0x3FFE];
	[sflag:s24] =	ssyncadd.s32 $0xFFFFFFFF  }
0x1d: {  	s27 =	simm.s32 $execute0_lowered;
	[smem:$0x3FD2] =	sst s26  }
0x1e: {  	s5 =	sshll.u32 s27, $0x1;
	_ =	strace $0x80000049;
	[dreg:$0x1] =	wrdreg $0xFFFFFFFF  }
0x1f: {  	s28 =	simm.s32 $_size_execute0_lowered;
	s3 =	sadd.s32 s3, s5;
	[dreg:$0x0] =	wrdreg $0x0  }
0x20: {  	s5 =	sshll.u32 s28, $0x1;
	[dreg:$0x2] =	wrdreg s3  }
0x21: {  	[dreg:$0x3] =	wrdreg s5  }
0x22: {  	[dreg:$0x4] =	wrdreg $0xC0  }
0x23: {  	_ =	task [dreg:s7], $0x5FFFF  }
0x24: {  	[dreg:$0x1] =	wrdreg $0xFFFFFFFF  }
0x25: {  	[dreg:$0x0] =	wrdreg $0x60  }
0x26: {  	[dreg:$0x2] =	wrdreg s25  }
0x27: {  	[dreg:$0x3] =	wrdreg s2  }
0x28: {  	[dreg:$0x4] =	wrdreg $0x9  }
0x29: {  	_ =	task.clear_ibuf [dreg:s7], $0x5FFFF;
	_ =	strace $0x90000049  }
0x2a: {  	s29 =	simm.s32 $0x9;
	_ =	strace $0x8000004B  }
0x2b: {  	_ =	swait.ge [sflag:s29], $0x1  }
0x2c: {  	[sflag:s29] =	ssyncadd.s32 $0xFFFFFFFF  }
0x2d: {  	_ =	strace $0x9000004B  }
0x2e: {  	_ =	sfence  }
0x2f: {  	s30 =	sld [smem:$0x0];
	_ =	sdelay $0x2  }
0x30: {  	s31 =	sshll.u32 s1, $0xD;
	s1 =	sshrl.u32 s1, $0x2  }
0x31: {  	s3 =	sand.u32 $0x4000, s31;
	s1 =	sadd.s32 s1, s30  }
0x32: {  	s0 =	sor.u32 s3, s0;
	s1 =	sshll.u32 s1, $0x11  }
0x33: {  	s0 =	sor.u32 s1, s0  }
0x34: {  	s0 =	sadd.s32 $0x8F2B, s0  }
0x35: {  	[sflag:s0] =	ssyncadd.remote.s32 $0x1  }
0x36: {  	_ =	sfence.sel $0xFFFF  }
0x37: {  	[dreg:$0x0] =	wrdreg $0xFFFFFFFF;
	(pc) =	sbr.abs _section_cstart, $3  }
0x38: {  	[dreg:$0x1] =	wrdreg $0xFFFFFFFF  }
0x39: {  	_ =	task.clear_ibuf [dreg:s7], $0x2FFFF;
	_ =	strace $0x9FFFFFFF  }
0x3a: {  	(tm) =	ssettm $0x7FFFFFFF  }
0x3b: {  	_ =	shalt  }
tec
execute0_lowered:
.L_overlay_start_1:
0x0: {  	(tag) =	ssettag $0x1  }
0x1: {  	s0 =	srdreg.scid  }
0x2: {  	s1 =	sshll.u32 s0, $0x4  }
0x3: {  	s6 =	rddreg [dreg:$0x0];
	s0 =	stileid.u32;
	s1 =	sand.u32 $0x10, s1  }
0x4: {  	s3 =	rddreg [dreg:$0x1];
	s1 =	sor.u32 s0, s1  }
0x5: {  	s5 =	simm.s32 $0x1;
	s31 =	simm.s32 $0x2;
	s2 =	sshll.u32 s1, $0x7  }
0x6: {  	s15 =	simm.s32 $0x0;
	s8 =	simm.s32 $0xC8000;
	s4 =	ssub.s32 $0x1000, s2  }
0x7: {  	s14 =	simm.s32 $0x0;
	s9 =	simm.s32 $0x0;
	s30 =	sand.u32 $0xF80, s4  }
0x8: {  	s10 =	simm.s32 $0x0;
	s11 =	simm.s32 $0x0;
	p0 =	sne.s32 s30, $0x0  }
.Ltmp0:
0x9: {  	s7 =	sshrl.u32 s4, $0xC;
	s5 =	simm.s32 @!p0 $0x0;
	(pc) =	sbr.rel .LBB1_1-.Ltmp0, $4  }
0xa: {  	s13 =	simm.s32 $0x0;
	s1 =	rddreg [dreg:$0x2];
	s5 =	sadd.s32 s5, s7  }
0xb: {  	_ =	strace $0x8000004A;
	s4 =	simm.s32 $0x1;
	s5 =	smul.u32 $0xC8, s5  }
0xc: {  	s6 =	sadd.s32 $0xB20A00, s6;
	s12 =	smov.u32 s2;
	[sflag:s4] =	ssyncpa.u1 $0x0  }
0xd: {  	[sflag:s31] =	ssyncpa.u1 $0x0;
	p0 =	por $0x0, $0x0;
	s7 =	sor.u32 $0x1, s5  }
.LBB1_4:
0xe: {  	s18 =	sshll.u32 s9, $0xC;
	s19 =	sand.u32 $0x78, s10;
	s20 =	sshll.u32 s10, $0x3  }
0xf: {  	s22 =	sshll.u32 s9, $0x7;
	p1 =	sgt.s32 s9, $0xC7;
	s25 =	sshra.s32 s9, $0x1F  }
0x10: {  	s23 =	smov.u32 s10;
	s24 =	sshra.s32 s10, $0x1F;
	s29 =	sand.u32 $0x7, s10  }
0x11: {  	s18 =	sand.u32 $0xFFFF8000, s18;
	s21 =	sand.u32 $0xFFFFFC00, s20;
	s20 =	sand.u32 $0xC00, s20  }
0x12: {  	s30 =	sand.u32 $0x380, s22;
	s22 =	sand.u32 s25, s9;
	s18 =	sadd.s32 s21, s18  }
0x13: {  	s19 =	sor.u32 s19, s20;
	s20 =	smov.u32 s9;
	s18 =	sshrl.u32 s18, $0xC  }
0x14: {  	s20 =	simm.s32 @!p1 $0xC7;
	p1 =	sgt.s32 s10, $0xF80;
	s31 =	smulhi.u32 $0x147AE15, s18  }
0x15: {  	s26 =	sand.u32 s24, s10;
	s20 =	ssub.s32 s20, s22;
	s23 =	simm.s32 @!p1 $0xF80  }
0x16: {  	s27 =	ssub.s32 $0xC8, s20;
	s22 =	ssub.s32 s23, s26;
	s21 =	smul.u32 $0xC8, s31  }
0x17: {  	s20 =	sadd.s32 $0xFFFFFF39, s20;
	s23 =	smul.u32 $0x1C, s27;
	s28 =	sadd.s32 $0xFFFFF080, s22  }
0x18: {  	p1 =	sgt.s32 s20, $0x0;
	s20 =	ssub.s32 $0x1000, s22;
	p2 =	sgt.s32 s28, $0x7F  }
0x19: {  	s19 =	sor.u32 s30, s19;
	s23 =	simm.s32 @p1 $0x0;
	s20 =	simm.s32 @p2 $0x0  }
0x1a: {  	s19 =	sshrl.u32 s19, $0x3;
	s18 =	ssub.s32 s18, s21;
	s20 =	smul.u32 s20, s23  }
0x1b: {  	s19 =	sadd.s32 s3, s19;
	s21 =	sshll.u32 s29, $0x12;
	s18 =	sshll.u32 s18, $0x9  }
0x1c: {  	[tilespmem:s17+$0x0 ss:$0x81] =	vst.msk $0xffff, v0;
	s31 =	sor.u32 $0x80, s21;
	s18 =	sadd.s32 s18, s19;
	s30 =	sand.u32 $0x3FFFFFFC, s20  }
0x1d: {  	[hbm4b:s18+s31] =	stream.strided.scatter [tilespmem:s16], [sflag:$0x2], s30, s8, s31, $0x20;
	[tilespmem:$0x4040] =	vst v63  }
.LBB1_5:
0x1e: {  	p1 =	slt.u32 s13, $0x2  }
0x1f: {  	s17 =	smov.u32 s15;
	p2 =	sgt.s32 @!p1 s15, $0xC7;
	s16 =	sshra.s32 @!p1 s15, $0x1F  }
0x20: {  	p3 =	sgt.s32 @!p1 s14, $0xF80;
	s18 =	sshra.s32 @!p1 s14, $0x1F;
	p2 =	por !p2, p1  }
0x21: {  	s15 =	sand.u32 @!p1 s16, s15;
	p3 =	por !p3, p1;
	s16 =	smov.u32 s14  }
0x22: {  	s14 =	sand.u32 @!p1 s18, s14;
	s17 =	simm.s32 @p2 $0xC7;
	s16 =	simm.s32 @p3 $0xF80  }
0x23: {  	s18 =	smov.u32 s12;
	s15 =	ssub.s32 @!p1 s17, s15;
	s14 =	ssub.s32 @!p1 s16, s14  }
0x24: {  	s16 =	sadd.s32 @!p1 $0xFFFFFF39, s15;
	s15 =	ssub.s32 @!p1 $0xC8, s15;
	s17 =	sadd.s32 @!p1 $0xFFFFF080, s14  }
0x25: {  	p2 =	sgt.s32 @!p1 s16, $0x0;
	s15 =	smul.u32 @!p1 $0x1C, s15;
	p3 =	sgt.s32 @!p1 s17, $0x7F  }
0x26: {  	s14 =	ssub.s32 @!p1 $0x1000, s14;
	p2 =	por !p2, p1;
	p3 =	por !p3, p1  }
0x27: {  	s16 =	sadd.s32 $0x1, s11;
	s15 =	simm.s32 @!p2 $0x0;
	s14 =	simm.s32 @!p3 $0x0  }
0x28: {  	p2 =	sgt.s32 s16, $0xC7;
	s14 =	smul.u32 @!p1 s14, s15;
	s15 =	sadd.s32 $0x1000, s12  }
0x29: {  	s18 =	smov.u32 @p2 s15  }
0x2a: {  	s16 =	simm.s32 @p2 $0x0;
	p2 =	sgt.s32 s18, $0xFFF  }
0x2b: {  	s18 =	smov.u32 @p2 s2;
	p2 =	sne.s32 s13, s7  }
.Ltmp1:
0x2c: {  	p0 =	por !p0, !p0;
	s17 =	simm.s32 @!p1 $0x2;
	(pc) =	sbr.rel @!p2 .LBB1_6-.Ltmp1, $4  }
0x2d: {  	s15 =	smov.u32 s9;
	s9 =	smov.u32 s11;
	s14 =	sand.u32 @!p1 $0x3FFFFFFC, s14  }
0x2e: {  	s11 =	smov.u32 s16;
	_ =	swait.ge @!p1 [sflag:s17], s14;
	s19 =	ssub.s32 @!p1 $0x0, s14  }
0x2f: {  	s14 =	smov.u32 s10;
	s13 =	sadd.s32 $0x1, s13;
	[sflag:s17] =	ssyncset.done @!p1 $0x0  }
0x30: {  	s10 =	smov.u32 s12;
	s12 =	smov.u32 s18;
	[sflag:s17] =	ssyncadd.s32 @!p1 s19  }
.LBB1_1:
0x31: {  	p1 =	sge.u32 s13, s5  }
0x32: {  	s16 =	sand.u32 @!p1 $0x1FFFFFF, s11  }
0x33: {  	s17 =	smulhi.u32 @!p1 $0x147AE15, s16;
	_ =	sdelay $0x1  }
0x34: {  	s17 =	smul.u32 @!p1 $0xC8, s17  }
0x35: {  	s18 =	sxor.u32 @!p1 $0xFFFFFFFF, s13;
	s19 =	smul.u32 @!p1 $0xC80, s12  }
0x36: {  	s31 =	sadd.s32 $0xFFFFFFFF, s13;
	s18 =	sshll.u32 @!p1 s18, $0xC;
	s16 =	ssub.s32 @!p1 s16, s17  }
0x37: {  	s17 =	sand.u32 @!p1 $0x1000, s18;
	s18 =	sadd.s32 @!p1 s6, s19;
	s16 =	sshll.u32 @!p1 s16, $0x4  }
0x38: {  	s19 =	simm.s32 @!p1 $0x6400;
	s16 =	sadd.s32 @!p1 s16, s18;
	s18 =	simm.s32 @!p1 $0x20  }
0x39: {  	[tilespmem:s17], [sflag:$0x1] =	stream.strided.gather @!p1 [hbm4b:s16+s18], $0x1000, s19, s18, $0x38;
	[tilespmem:$0x4040] =	vst v63  }
0x3a: {  	p1 =	sge.u32 s31, s5  }
.Ltmp2:
0x3b: {  	_ = 	snop;
	(pc) =	sbr.rel @p1 .LBB1_5-.Ltmp2, $1  }
0x3c: {  	_ =	sdelay $0x3  }
0x3d: {  	s16 =	simm.s32 $0x1  }
0x3e: {  	_ =	swait.ge [sflag:s4], $0x1000;
	s16 =	simm.s32 @!p0 $0x0  }
0x3f: {  	[sflag:s4] =	ssyncset.done $0x0;
	s17 =	sshll.u32 s16, $0xC  }
0x40: {  	[sflag:s4] =	ssyncadd.s32 $0xFFFFF000;
	s20 =	sor.u32 $0x10, s17  }
0x41: {  	s16 =	smul.u32 $0x4080, s16;
	v1 =	vld [tilespmem:s20+$0x0]  }
0x42: {  	s30 =	sand.u32 $0x1, s13;
	v0 =	vld [tilespmem:s20+$0xFFFFFFF0]  }
0x43: {  	s17 =	smul.u32 $0x4080, s30;
	s16 =	sshrl.u32 s16, $0x2  }
0x44: {  	s18 =	sor.u32 $0x2000, s16  }
0x45: {  	s31 =	sshrl.u32 s17, $0x2;
	s17 =	sadd.s32 $0x0, s18  }
0x46: {  	s19 =	simm.s32 $0x4;
	s20 =	sadd.s32 $0x20, s20;
	s16 =	sor.u32 $0x2000, s31;
	[tilespmem:s17+$0x810 ss:$0x81] =	vst.msk $0xffff, v1  }
.LBB1_3:
0x47: {  	v1 =	vld [tilespmem:s20+$0x0];
	p1 =	sne.s32 s19, $0x1FC;
	[tilespmem:s17+$0x0 ss:$0x81] =	vst.msk $0xffff, v0;
	s17 =	smov.u32 s19;
	s19 =	sadd.s32 $0x4, s19  }
.Ltmp3:
0x48: {  	v0 =	vld [tilespmem:s20+$0xFFFFFFF0];
	(pc) =	sbr.rel @p1 .LBB1_3-.Ltmp3, $4  }
0x49: {  	_ = 	snop  }
0x4a: {  	s17 =	sshra.s32 s17, $0x2  }
0x4b: {  	s17 =	sadd.s32 s17, s18  }
0x4c: {  	s20 =	sadd.s32 $0x20, s20;
	[tilespmem:s17+$0x810 ss:$0x81] =	vst.msk $0xffff, v1  }
.Ltmp4:
0x4d: {  	_ = 	snop;
	(pc) =	sbr.rel .LBB1_4-.Ltmp4, $1  }
0x4e: {  	_ =	sdelay $0x3  }
.LBB1_6:
0x4f: {  	_ =	sfence.sel $0x180000  }
0x50: {  	s2 =	simm.s32 $0x1;
	[bflag:$0x0] =	sbarrier.arrive $0xFFFF  }
0x51: {  	s31 =	simm.s32 $0x2;
	[sflag:s2] =	ssyncpa.u1 $0x1  }
0x52: {  	[sflag:s31] =	ssyncpa.u1 $0x1  }
0x53: {  	p0 =	sne.s32 s0, $0x0;
	_ =	strace $0x9000004A  }
0x54: {  	s0 =	sadd.s32 @!p0 $0x100000, s1;
	[bflag:$0x2] =	sbarrier.arrive $0xFFFF  }
0x55: {  	[sflag:s0] =	ssyncadd.tile.s32 @!p0 $0x1;
	_ =	shalt  }
.Lfunc_end1:
_tile_overlayer_lowered:
.L_overlay_start_2:
0x56: {  	(tag) =	ssettag $0x2  }
0x57: {  	s0 =	rddreg [dreg:$0x0];
	s2 =	stileid.u32  }
0x58: {  	s1 =	rddreg [dreg:$0x1];
	p0 =	sne.s32 s2, $0x0  }
0x59: {  	s3 =	rddreg [dreg:$0x2];
	[bflag:$0x3] =	sbarrier.arrive $0xFFFF;
	s2 =	simm.s32 @!p0 $0x1C01  }
0x5a: {  	[timem:s3], [sflag:s2] =	dma.local @!p0 [hbm:s0], s1  }
0x5b: {  	s0 =	simm.s32 @!p0 $0x1  }
0x5c: {  	_ =	swait.ge @!p0 [sflag:s0], s1  }
0x5d: {  	s1 =	ssub.s32 @!p0 $0x0, s1;
	[sflag:s0] =	ssyncset.done @!p0 $0x0  }
0x5e: {  	[sflag:s0] =	ssyncadd.s32 @!p0 s1  }
0x5f: {  	[bflag:$0x3] =	sbarrier.arrive $0xFFFF  }
0x60: {  	_ =	shalt  }

</sc_bundles>
